<compile_context>
chip_gen: v7x
topology: tpu7x:2x2x1
jax: 0.10.2.dev20260603
libtpu: 0.0.44.dev20260713+nightly
codegen_flags: <defaults>
</compile_context>

<pallas_src>
import functools

import jax
import jax.numpy as jnp
from jax import lax
from jax.experimental import pallas as pl
from jax.experimental.pallas import tpu as pltpu
from jax.experimental.pallas import tpu_sc as plsc

N = 10000
E = 320000
D = 128
K = 64
B = 50
C = 10

NC = 2
NS = 16
CH = 128
NCHUNK = E // CH
ITERS = -(-NCHUNK // (NC * NS))
NP = 10240
RPT = NP // NS

_mesh = plsc.VectorSubcoreMesh(core_axis_name="c", subcore_axis_name="s")


@functools.partial(
    pl.kernel,
    out_type=jax.ShapeDtypeStruct((NC, NP, D), jnp.float32),
    mesh=_mesh,
    scratch_types=[
        pltpu.VMEM((CH, D), jnp.float32),
        pltpu.VMEM((CH,), jnp.int32),
        pltpu.VMEM_SHARED((NP, D), jnp.float32),
    ],
)
def _deg_kernel(col_hbm, ones_hbm, zeros_hbm, out_hbm, ones_v, cidx_v, acc):
    c = lax.axis_index("c")
    s = lax.axis_index("s")
    w = c * NS + s
    pltpu.sync_copy(ones_hbm, ones_v)
    pltpu.sync_copy(zeros_hbm.at[pl.ds(s * RPT, RPT)], acc.at[pl.ds(s * RPT, RPT)])
    plsc.subcore_barrier()

    def body(j, carry):
        cid = w + j * (NC * NS)

        @pl.when(cid < NCHUNK)
        def _():
            pltpu.sync_copy(col_hbm.at[pl.ds(cid * CH, CH)], cidx_v)
            pltpu.sync_copy(ones_v, acc.at[cidx_v], add=True)
        return carry

    lax.fori_loop(0, ITERS, body, 0)
    plsc.subcore_barrier()
    pltpu.sync_copy(acc.at[pl.ds(s * RPT, RPT)],
                    out_hbm.at[c, pl.ds(s * RPT, RPT)])


@functools.partial(
    pl.kernel,
    out_type=jax.ShapeDtypeStruct((NC, NP, D), jnp.float32),
    mesh=_mesh,
    scratch_types=[
        pltpu.VMEM((CH,), jnp.int32),
        pltpu.VMEM((CH,), jnp.int32),
        pltpu.VMEM((CH, D), jnp.float32),
        pltpu.VMEM_SHARED((NP, D), jnp.float32),
        pltpu.SemaphoreType.DMA,
    ],
)
def _agg_kernel(y_hbm, row_hbm, col_hbm, zeros_hbm, out_hbm,
                ridx_v, cidx_v, rows_v, acc, sem):
    c = lax.axis_index("c")
    s = lax.axis_index("s")
    w = c * NS + s
    pltpu.sync_copy(zeros_hbm.at[pl.ds(s * RPT, RPT)], acc.at[pl.ds(s * RPT, RPT)])
    plsc.subcore_barrier()

    def body(j, carry):
        cid = w + j * (NC * NS)

        @pl.when(cid < NCHUNK)
        def _():
            pltpu.sync_copy(row_hbm.at[pl.ds(cid * CH, CH)], ridx_v)
            pltpu.sync_copy(col_hbm.at[pl.ds(cid * CH, CH)], cidx_v)
            pltpu.async_copy(y_hbm.at[ridx_v], rows_v, sem).wait()
            pltpu.sync_copy(rows_v, acc.at[cidx_v], add=True)
        return carry

    lax.fori_loop(0, ITERS, body, 0)
    plsc.subcore_barrier()
    pltpu.sync_copy(acc.at[pl.ds(s * RPT, RPT)],
                    out_hbm.at[c, pl.ds(s * RPT, RPT)])


def _t0_body(x_ref, w_ref, degp_ref, y1_ref, dinv_ref):
    deg = degp_ref[0, :N, 0:1] + degp_ref[1, :N, 0:1] + 1.0
    dinv = lax.rsqrt(deg)
    xw = jnp.dot(x_ref[...], w_ref[...], preferred_element_type=jnp.float32)
    dinv_ref[...] = dinv
    y1_ref[...] = dinv * xw


def _t1_body(zp_ref, y1_ref, dinv_ref, b_ref, w_ref, y2_ref):
    dinv = dinv_ref[...]
    h = jnp.maximum(dinv * (zp_ref[0, :N] + zp_ref[1, :N] + y1_ref[...])
                    + b_ref[...], 0.0)
    y2_ref[...] = dinv * jnp.dot(h, w_ref[...],
                                 preferred_element_type=jnp.float32)


def _t2_body(zp_ref, y2_ref, dinv_ref, b_ref, batch_ref, w1_ref, b1_ref,
             w2_ref, b2_ref, out_ref):
    dinv = dinv_ref[...]
    ne = jnp.maximum(dinv * (zp_ref[0, :N] + zp_ref[1, :N] + y2_ref[...])
                     + b_ref[...], 0.0)
    labels = lax.broadcasted_iota(jnp.int32, (N, K), 1)
    mask = jnp.where(batch_ref[...] == labels, jnp.float32(1.0 / K),
                     jnp.float32(0.0))
    pooled = lax.dot_general(mask, ne, (((0,), (0,)), ((), ())),
                             preferred_element_type=jnp.float32)
    t = jnp.maximum(jnp.dot(pooled, w1_ref[...],
                            preferred_element_type=jnp.float32) + b1_ref[...],
                    0.0)
    out_ref[...] = jnp.dot(t, w2_ref[...],
                           preferred_element_type=jnp.float32) + b2_ref[...]


_t0 = pl.pallas_call(
    _t0_body,
    out_shape=(jax.ShapeDtypeStruct((N, D), jnp.float32),
               jax.ShapeDtypeStruct((N, 1), jnp.float32)),
)
_t1 = pl.pallas_call(
    _t1_body,
    out_shape=jax.ShapeDtypeStruct((N, D), jnp.float32),
)
_t2 = pl.pallas_call(
    _t2_body,
    out_shape=jax.ShapeDtypeStruct((K, C), jnp.float32),
)


def kernel(x, edge_index, batch, W_pre, b_pre, W_emb, b_emb, W_asg, b_asg,
           W1, b1, W2, b2):
    row = edge_index[0]
    col = edge_index[1]
    zeros_d = jnp.zeros((NP, D), jnp.float32)
    ones_d = jnp.ones((CH, D), jnp.float32)

    degp = _deg_kernel(col, ones_d, zeros_d)
    y1, dinv = _t0(x, W_pre, degp)
    z1 = _agg_kernel(y1, row, col, zeros_d)
    y2 = _t1(z1, y1, dinv, b_pre.reshape(1, D), W_emb)
    z2 = _agg_kernel(y2, row, col, zeros_d)
    out = _t2(z2, y2, dinv, b_emb.reshape(1, D), batch.reshape(N, 1),
              W1, b1.reshape(1, D), W2, b2.reshape(1, C))
    return out[:B]

# --- scband reference (transcript-rebuilt; emitter-appended) ---
"""Pipeline reference for scband-gnndiff-pool-807453851812 (READ-ONLY COPY).

The authoritative reference and input builder live on the scoring server;
editing this copy changes nothing except your own understanding.
"""

import jax, jax.numpy as jnp
import numpy as np

N = 10000
E = 320000
D = 128
K = 64
B = 50
C = 10


def _gcn(x, edge_index, W, b):
    n = x.shape[0]
    xw = x @ W
    row, col = edge_index[0], edge_index[1]
    loop = jnp.arange(n, dtype=row.dtype)
    row = jnp.concatenate([row, loop])
    col = jnp.concatenate([col, loop])
    ones = jnp.ones(row.shape[0], dtype=xw.dtype)
    deg = jnp.zeros((n,), dtype=xw.dtype).at[col].add(ones)
    dinv = jnp.where(deg > 0, deg ** -0.5, 0.0)
    norm = dinv[row] * dinv[col]
    msgs = norm[:, None] * xw[row]
    out = jnp.zeros((n, xw.shape[1]), dtype=xw.dtype).at[col].add(msgs)
    return out + b


def setup_inputs(seed: int = 0):
    key = jax.random.key(seed)
    ks = jax.random.split(key, 12)
    x = jax.random.normal(ks[0], (N, D), dtype=jnp.float32)
    edge_index = jax.random.randint(ks[1], (2, E), 0, N)
    batch = jnp.sort(jax.random.randint(ks[2], (N,), 0, B))
    s = 1.0 / np.sqrt(D)
    W_pre = jax.random.normal(ks[3], (D, D), dtype=jnp.float32) * s
    b_pre = jnp.zeros((D,), dtype=jnp.float32)
    W_emb = jax.random.normal(ks[4], (D, D), dtype=jnp.float32) * s
    b_emb = jnp.zeros((D,), dtype=jnp.float32)
    W_asg = jax.random.normal(ks[5], (D, K), dtype=jnp.float32) * s
    b_asg = jnp.zeros((K,), dtype=jnp.float32)
    W1 = jax.random.normal(ks[6], (D, D), dtype=jnp.float32) * s
    b1 = jnp.zeros((D,), dtype=jnp.float32)
    W2 = jax.random.normal(ks[7], (D, C), dtype=jnp.float32) * s
    b2 = jnp.zeros((C,), dtype=jnp.float32)
    return {"x": x, "edge_index": edge_index, "batch": batch,
            "W_pre": W_pre, "b_pre": b_pre, "W_emb": W_emb, "b_emb": b_emb,
            "W_asg": W_asg, "b_asg": b_asg, "W1": W1, "b1": b1, "W2": W2, "b2": b2}


def reference(x, edge_index, batch, W_pre, b_pre, W_emb, b_emb, W_asg, b_asg, W1, b1, W2, b2):
    counts = jnp.bincount(batch, length=B)
    starts = jnp.concatenate([jnp.zeros((1,), dtype=counts.dtype), jnp.cumsum(counts)[:-1]])
    pos = jnp.arange(N, dtype=batch.dtype) - starts[batch]
    M = x.shape[0]
    h = jax.nn.relu(_gcn(x, edge_index, W_pre, b_pre))
    NE = jax.nn.relu(_gcn(h, edge_index, W_emb, b_emb))
    S = jax.nn.softmax(_gcn(h, edge_index, W_asg, b_asg), axis=-1)
    NE_b = jnp.zeros((B, M, D), dtype=NE.dtype).at[batch, pos].set(NE)
    S_b = jnp.zeros((B, M, K), dtype=S.dtype).at[batch, pos].set(S)
    row, col = edge_index[0], edge_index[1]
    idx0 = batch[row]
    idx1 = row - starts[batch[row]]
    idx2 = col - starts[batch[col]]

    def _per_graph(args):
        b, S_g = args
        w = jnp.where(idx0 == b, jnp.float32(1.0), jnp.float32(0.0))
        A_g = jnp.zeros((M, M), dtype=jnp.float32).at[idx1, idx2].add(w)
        return jnp.einsum('nk,nm,ml->kl', S_g, A_g, S_g)

    Xp = jnp.einsum('bnk,bnd->bkd', S_b, NE_b)
    Ap = jax.lax.map(_per_graph, (jnp.arange(B, dtype=batch.dtype), S_b))
    out = Xp.mean(axis=1)
    out = jax.nn.relu(out @ W1 + b1)
    return out @ W2 + b2

if __name__ == "__main__":
    import jax
    _d = setup_inputs()
    print(jax.jit(kernel)(*tuple(_d.values())))

</pallas_src>

<mosaic_0001>
#map = affine_map<(d0, d1) -> (0)>
#map1 = affine_map<(d0, d1) -> (0, 0)>
#map2 = affine_map<(d0, d1) -> (0, 0, 0)>
module attributes {stable_mosaic.version = 14 : i64} {
  func.func @_deg_kernel(%arg0: i32, %arg1: i32, %arg2: memref<320000xi32, #tpu.memory_space<hbm>>, %arg3: memref<128x128xf32, #tpu.memory_space<hbm>>, %arg4: memref<10240x128xf32, #tpu.memory_space<hbm>>, %arg5: memref<2x10240x128xf32, #tpu.memory_space<hbm>>, %arg6: memref<128x128xf32, #tpu.memory_space<vmem>>, %arg7: memref<128xi32, #tpu.memory_space<vmem>>, %arg8: memref<10240x128xf32, #tpu.memory_space<vmem_shared>>) attributes {dimension_semantics = [#tpu.dimension_semantics<core_parallel>, #tpu.dimension_semantics<subcore_parallel>], iteration_bounds = array<i64: 2, 16>, scalar_prefetch = 0 : i64, scratch_operands = 3 : i64, tpu.core_type = #tpu.core_type<sc_vector_subcore>, window_params = [{transform_indices = #map}, {transform_indices = #map1}, {transform_indices = #map1}, {transform_indices = #map2}]} {
    %mul3A = arith.constant 16 : i32
    %mul3A_0 = arith.muli %arg0, %mul3A : i32
    %add3A = arith.addi %mul3A_0, %arg1 : i32
    "tpu.region"() ({
      %run_scoped3A = tpu.sem_alloc : memref<!tpu.dma_semaphore, #tpu.memory_space<semaphore_mem>>
      tpu.enqueue_dma source(%arg3 : memref<128x128xf32, #tpu.memory_space<hbm>>) target(%arg6 : memref<128x128xf32, #tpu.memory_space<vmem>>) target_semaphore(%run_scoped3A : memref<!tpu.dma_semaphore, #tpu.memory_space<semaphore_mem>>)
      tpu.wait_dma2 semaphore(%run_scoped3A : memref<!tpu.dma_semaphore, #tpu.memory_space<semaphore_mem>>) src(%arg3 : memref<128x128xf32, #tpu.memory_space<hbm>>) dst(%arg6 : memref<128x128xf32, #tpu.memory_space<vmem>>)
      tpu.yield
    }) : () -> ()
    %mul3A_1 = arith.constant 640 : i32
    %mul3A_2 = arith.muli %arg1, %mul3A_1 : i32
    %mul3A_3 = arith.constant 640 : i32
    %mul3A_4 = arith.muli %arg1, %mul3A_3 : i32
    "tpu.region"() ({
      %run_scoped3A = tpu.sem_alloc : memref<!tpu.dma_semaphore, #tpu.memory_space<semaphore_mem>>
      %dma_start3A = arith.constant 0 : i32
      %dma_start3A_15 = tpu.memref_slice %arg8[%mul3A_4, %dma_start3A] : memref<10240x128xf32, #tpu.memory_space<vmem_shared>> -> memref<640x128xf32, #tpu.memory_space<vmem_shared>>
      %dma_start3A_16 = arith.constant 0 : i32
      %dma_start3A_17 = tpu.memref_slice %arg4[%mul3A_2, %dma_start3A_16] : memref<10240x128xf32, #tpu.memory_space<hbm>> -> memref<640x128xf32, #tpu.memory_space<hbm>>
      tpu.enqueue_dma source(%dma_start3A_17 : memref<640x128xf32, #tpu.memory_space<hbm>>) target(%dma_start3A_15 : memref<640x128xf32, #tpu.memory_space<vmem_shared>>) target_semaphore(%run_scoped3A : memref<!tpu.dma_semaphore, #tpu.memory_space<semaphore_mem>>)
      %dma_wait3A = arith.constant 0 : i32
      %dma_wait3A_18 = tpu.memref_slice %arg8[%mul3A_4, %dma_wait3A] : memref<10240x128xf32, #tpu.memory_space<vmem_shared>> -> memref<640x128xf32, #tpu.memory_space<vmem_shared>>
      %dma_wait3A_19 = arith.constant 0 : i32
      %dma_wait3A_20 = tpu.memref_slice %arg4[%mul3A_2, %dma_wait3A_19] : memref<10240x128xf32, #tpu.memory_space<hbm>> -> memref<640x128xf32, #tpu.memory_space<hbm>>
      tpu.wait_dma2 semaphore(%run_scoped3A : memref<!tpu.dma_semaphore, #tpu.memory_space<semaphore_mem>>) src(%dma_wait3A_20 : memref<640x128xf32, #tpu.memory_space<hbm>>) dst(%dma_wait3A_18 : memref<640x128xf32, #tpu.memory_space<vmem_shared>>)
      tpu.yield
    }) : () -> ()
    %barrier3A = arith.constant 0 : index
    tpu.barrier barrier_id(%barrier3A)
    %scan3A = arith.constant 0 : i32
    %scan3A_5 = arith.constant 0 : i32
    %scan3A_6 = arith.constant 79 : i32
    %scan3A_7 = arith.addi %scan3A_5, %scan3A_6 : i32
    %scan3A_8 = arith.constant 1 : i32
    scf.for %scan3A_15 = %scan3A_5 to %scan3A_7 step %scan3A_8  : i32 {
      %mul3A_16 = arith.constant 32 : i32
      %mul3A_17 = arith.muli %scan3A_15, %mul3A_16 : i32
      %add3A_18 = arith.addi %add3A, %mul3A_17 : i32
      %lt3A = arith.constant 2500 : i32
      %lt3A_19 = arith.cmpi slt, %add3A_18, %lt3A : i32
      %convert_element_type3A = arith.extui %lt3A_19 : i1 to i32
      %cond3A = arith.constant 0 : i32
      %cond3A_20 = arith.cmpi ne, %convert_element_type3A, %cond3A : i32
      scf.if %cond3A_20 {
        %mul3A_21 = arith.constant 128 : i32
        %mul3A_22 = arith.muli %add3A_18, %mul3A_21 : i32
        "tpu.region"() ({
          %run_scoped3A = tpu.sem_alloc : memref<!tpu.dma_semaphore, #tpu.memory_space<semaphore_mem>>
          %dma_start3A = tpu.memref_slice %arg2[%mul3A_22] : memref<320000xi32, #tpu.memory_space<hbm>> -> memref<128xi32, #tpu.memory_space<hbm>>
          %dma_start3A_23 = tpu.memref_slice %arg2[%mul3A_22] : memref<320000xi32, #tpu.memory_space<hbm>> -> memref<128xi32, #tpu.memory_space<hbm>>
          tpu.enqueue_dma source(%dma_start3A_23 : memref<128xi32, #tpu.memory_space<hbm>>) target(%arg7 : memref<128xi32, #tpu.memory_space<vmem>>) target_semaphore(%run_scoped3A : memref<!tpu.dma_semaphore, #tpu.memory_space<semaphore_mem>>)
          %dma_wait3A = tpu.memref_slice %arg2[%mul3A_22] : memref<320000xi32, #tpu.memory_space<hbm>> -> memref<128xi32, #tpu.memory_space<hbm>>
          %dma_wait3A_24 = tpu.memref_slice %arg2[%mul3A_22] : memref<320000xi32, #tpu.memory_space<hbm>> -> memref<128xi32, #tpu.memory_space<hbm>>
          tpu.wait_dma2 semaphore(%run_scoped3A : memref<!tpu.dma_semaphore, #tpu.memory_space<semaphore_mem>>) src(%dma_wait3A_24 : memref<128xi32, #tpu.memory_space<hbm>>) dst(%arg7 : memref<128xi32, #tpu.memory_space<vmem>>)
          tpu.yield
        }) : () -> ()
        "tpu.region"() ({
          %run_scoped3A = tpu.sem_alloc : memref<!tpu.dma_semaphore, #tpu.memory_space<semaphore_mem>>
          %dma_start3A = arith.constant 0 : i32
          %dma_start3A_23 = arith.constant 0 : i32
          %dma_start3A_24 = tpu.memref_slice %arg8[%dma_start3A, %dma_start3A_23] : memref<10240x128xf32, #tpu.memory_space<vmem_shared>> -> memref<10240x128xf32, #tpu.memory_space<vmem_shared>>
          tpu.enqueue_indirect_dma source(%arg6 : memref<128x128xf32, #tpu.memory_space<vmem>>) target(%dma_start3A_24 : memref<10240x128xf32, #tpu.memory_space<vmem_shared>>) offsets(%arg7 : memref<128xi32, #tpu.memory_space<vmem>>) semaphore(%run_scoped3A : memref<!tpu.dma_semaphore, #tpu.memory_space<semaphore_mem>>) {add = true}
          %dma_wait3A = arith.constant 0 : i32
          %dma_wait3A_25 = arith.constant 0 : i32
          %dma_wait3A_26 = tpu.memref_slice %arg8[%dma_wait3A, %dma_wait3A_25] : memref<10240x128xf32, #tpu.memory_space<vmem_shared>> -> memref<10240x128xf32, #tpu.memory_space<vmem_shared>>
          tpu.wait_indirect_dma semaphore(%run_scoped3A : memref<!tpu.dma_semaphore, #tpu.memory_space<semaphore_mem>>) src(%arg6 : memref<128x128xf32, #tpu.memory_space<vmem>>) dst(%dma_wait3A_26 : memref<10240x128xf32, #tpu.memory_space<vmem_shared>>)
          tpu.yield
        }) : () -> ()
      } else {
      }
    }
    %scan3A_9 = arith.constant 79 : i32
    %barrier3A_10 = arith.constant 0 : index
    tpu.barrier barrier_id(%barrier3A_10)
    %mul3A_11 = arith.constant 640 : i32
    %mul3A_12 = arith.muli %arg1, %mul3A_11 : i32
    %mul3A_13 = arith.constant 640 : i32
    %mul3A_14 = arith.muli %arg1, %mul3A_13 : i32
    "tpu.region"() ({
      %run_scoped3A = tpu.sem_alloc : memref<!tpu.dma_semaphore, #tpu.memory_space<semaphore_mem>>
      %dma_start3A = arith.constant 0 : i32
      %dma_start3A_15 = tpu.memref_slice %arg5[%arg0, %mul3A_14, %dma_start3A] : memref<2x10240x128xf32, #tpu.memory_space<hbm>> -> memref<1x640x128xf32, #tpu.memory_space<hbm>>
      %dma_start3A_16 = tpu.memref_squeeze %dma_start3A_15 : memref<1x640x128xf32, #tpu.memory_space<hbm>> -> memref<640x128xf32, #tpu.memory_space<hbm>>
      %dma_start3A_17 = arith.constant 0 : i32
      %dma_start3A_18 = tpu.memref_slice %arg8[%mul3A_12, %dma_start3A_17] : memref<10240x128xf32, #tpu.memory_space<vmem_shared>> -> memref<640x128xf32, #tpu.memory_space<vmem_shared>>
      tpu.enqueue_dma source(%dma_start3A_18 : memref<640x128xf32, #tpu.memory_space<vmem_shared>>) target(%dma_start3A_16 : memref<640x128xf32, #tpu.memory_space<hbm>>) target_semaphore(%run_scoped3A : memref<!tpu.dma_semaphore, #tpu.memory_space<semaphore_mem>>)
      %dma_wait3A = arith.constant 0 : i32
      %dma_wait3A_19 = tpu.memref_slice %arg5[%arg0, %mul3A_14, %dma_wait3A] : memref<2x10240x128xf32, #tpu.memory_space<hbm>> -> memref<1x640x128xf32, #tpu.memory_space<hbm>>
      %dma_wait3A_20 = tpu.memref_squeeze %dma_wait3A_19 : memref<1x640x128xf32, #tpu.memory_space<hbm>> -> memref<640x128xf32, #tpu.memory_space<hbm>>
      %dma_wait3A_21 = arith.constant 0 : i32
      %dma_wait3A_22 = tpu.memref_slice %arg8[%mul3A_12, %dma_wait3A_21] : memref<10240x128xf32, #tpu.memory_space<vmem_shared>> -> memref<640x128xf32, #tpu.memory_space<vmem_shared>>
      tpu.wait_dma2 semaphore(%run_scoped3A : memref<!tpu.dma_semaphore, #tpu.memory_space<semaphore_mem>>) src(%dma_wait3A_22 : memref<640x128xf32, #tpu.memory_space<vmem_shared>>) dst(%dma_wait3A_20 : memref<640x128xf32, #tpu.memory_space<hbm>>)
      tpu.yield
    }) : () -> ()
    return
  }
}

#map = affine_map<(d0, d1) -> (0, 0)>
#map1 = affine_map<(d0, d1) -> (0)>
#map2 = affine_map<(d0, d1) -> (0, 0, 0)>
module attributes {stable_mosaic.version = 14 : i64} {
  func.func @_agg_kernel(%arg0: i32, %arg1: i32, %arg2: memref<10000x128xf32, #tpu.memory_space<hbm>>, %arg3: memref<320000xi32, #tpu.memory_space<hbm>>, %arg4: memref<320000xi32, #tpu.memory_space<hbm>>, %arg5: memref<10240x128xf32, #tpu.memory_space<hbm>>, %arg6: memref<2x10240x128xf32, #tpu.memory_space<hbm>>, %arg7: memref<128xi32, #tpu.memory_space<vmem>>, %arg8: memref<128xi32, #tpu.memory_space<vmem>>, %arg9: memref<128x128xf32, #tpu.memory_space<vmem>>, %arg10: memref<10240x128xf32, #tpu.memory_space<vmem_shared>>, %arg11: memref<!tpu.dma_semaphore, #tpu.memory_space<semaphore_mem>>) attributes {dimension_semantics = [#tpu.dimension_semantics<core_parallel>, #tpu.dimension_semantics<subcore_parallel>], iteration_bounds = array<i64: 2, 16>, scalar_prefetch = 0 : i64, scratch_operands = 5 : i64, tpu.core_type = #tpu.core_type<sc_vector_subcore>, window_params = [{transform_indices = #map}, {transform_indices = #map1}, {transform_indices = #map1}, {transform_indices = #map}, {transform_indices = #map2}]} {
    %mul3A = arith.constant 16 : i32
    %mul3A_0 = arith.muli %arg0, %mul3A : i32
    %add3A = arith.addi %mul3A_0, %arg1 : i32
    %mul3A_1 = arith.constant 640 : i32
    %mul3A_2 = arith.muli %arg1, %mul3A_1 : i32
    %mul3A_3 = arith.constant 640 : i32
    %mul3A_4 = arith.muli %arg1, %mul3A_3 : i32
    "tpu.region"() ({
      %run_scoped3A = tpu.sem_alloc : memref<!tpu.dma_semaphore, #tpu.memory_space<semaphore_mem>>
      %dma_start3A = arith.constant 0 : i32
      %dma_start3A_15 = tpu.memref_slice %arg10[%mul3A_4, %dma_start3A] : memref<10240x128xf32, #tpu.memory_space<vmem_shared>> -> memref<640x128xf32, #tpu.memory_space<vmem_shared>>
      %dma_start3A_16 = arith.constant 0 : i32
      %dma_start3A_17 = tpu.memref_slice %arg5[%mul3A_2, %dma_start3A_16] : memref<10240x128xf32, #tpu.memory_space<hbm>> -> memref<640x128xf32, #tpu.memory_space<hbm>>
      tpu.enqueue_dma source(%dma_start3A_17 : memref<640x128xf32, #tpu.memory_space<hbm>>) target(%dma_start3A_15 : memref<640x128xf32, #tpu.memory_space<vmem_shared>>) target_semaphore(%run_scoped3A : memref<!tpu.dma_semaphore, #tpu.memory_space<semaphore_mem>>)
      %dma_wait3A = arith.constant 0 : i32
      %dma_wait3A_18 = tpu.memref_slice %arg10[%mul3A_4, %dma_wait3A] : memref<10240x128xf32, #tpu.memory_space<vmem_shared>> -> memref<640x128xf32, #tpu.memory_space<vmem_shared>>
      %dma_wait3A_19 = arith.constant 0 : i32
      %dma_wait3A_20 = tpu.memref_slice %arg5[%mul3A_2, %dma_wait3A_19] : memref<10240x128xf32, #tpu.memory_space<hbm>> -> memref<640x128xf32, #tpu.memory_space<hbm>>
      tpu.wait_dma2 semaphore(%run_scoped3A : memref<!tpu.dma_semaphore, #tpu.memory_space<semaphore_mem>>) src(%dma_wait3A_20 : memref<640x128xf32, #tpu.memory_space<hbm>>) dst(%dma_wait3A_18 : memref<640x128xf32, #tpu.memory_space<vmem_shared>>)
      tpu.yield
    }) : () -> ()
    %barrier3A = arith.constant 0 : index
    tpu.barrier barrier_id(%barrier3A)
    %scan3A = arith.constant 0 : i32
    %scan3A_5 = arith.constant 0 : i32
    %scan3A_6 = arith.constant 79 : i32
    %scan3A_7 = arith.addi %scan3A_5, %scan3A_6 : i32
    %scan3A_8 = arith.constant 1 : i32
    scf.for %scan3A_15 = %scan3A_5 to %scan3A_7 step %scan3A_8  : i32 {
      %mul3A_16 = arith.constant 32 : i32
      %mul3A_17 = arith.muli %scan3A_15, %mul3A_16 : i32
      %add3A_18 = arith.addi %add3A, %mul3A_17 : i32
      %lt3A = arith.constant 2500 : i32
      %lt3A_19 = arith.cmpi slt, %add3A_18, %lt3A : i32
      %convert_element_type3A = arith.extui %lt3A_19 : i1 to i32
      %cond3A = arith.constant 0 : i32
      %cond3A_20 = arith.cmpi ne, %convert_element_type3A, %cond3A : i32
      scf.if %cond3A_20 {
        %mul3A_21 = arith.constant 128 : i32
        %mul3A_22 = arith.muli %add3A_18, %mul3A_21 : i32
        "tpu.region"() ({
          %run_scoped3A = tpu.sem_alloc : memref<!tpu.dma_semaphore, #tpu.memory_space<semaphore_mem>>
          %dma_start3A_29 = tpu.memref_slice %arg3[%mul3A_22] : memref<320000xi32, #tpu.memory_space<hbm>> -> memref<128xi32, #tpu.memory_space<hbm>>
          %dma_start3A_30 = tpu.memref_slice %arg3[%mul3A_22] : memref<320000xi32, #tpu.memory_space<hbm>> -> memref<128xi32, #tpu.memory_space<hbm>>
          tpu.enqueue_dma source(%dma_start3A_30 : memref<128xi32, #tpu.memory_space<hbm>>) target(%arg7 : memref<128xi32, #tpu.memory_space<vmem>>) target_semaphore(%run_scoped3A : memref<!tpu.dma_semaphore, #tpu.memory_space<semaphore_mem>>)
          %dma_wait3A_31 = tpu.memref_slice %arg3[%mul3A_22] : memref<320000xi32, #tpu.memory_space<hbm>> -> memref<128xi32, #tpu.memory_space<hbm>>
          %dma_wait3A_32 = tpu.memref_slice %arg3[%mul3A_22] : memref<320000xi32, #tpu.memory_space<hbm>> -> memref<128xi32, #tpu.memory_space<hbm>>
          tpu.wait_dma2 semaphore(%run_scoped3A : memref<!tpu.dma_semaphore, #tpu.memory_space<semaphore_mem>>) src(%dma_wait3A_32 : memref<128xi32, #tpu.memory_space<hbm>>) dst(%arg7 : memref<128xi32, #tpu.memory_space<vmem>>)
          tpu.yield
        }) : () -> ()
        %mul3A_23 = arith.constant 128 : i32
        %mul3A_24 = arith.muli %add3A_18, %mul3A_23 : i32
        "tpu.region"() ({
          %run_scoped3A = tpu.sem_alloc : memref<!tpu.dma_semaphore, #tpu.memory_space<semaphore_mem>>
          %dma_start3A_29 = tpu.memref_slice %arg4[%mul3A_24] : memref<320000xi32, #tpu.memory_space<hbm>> -> memref<128xi32, #tpu.memory_space<hbm>>
          %dma_start3A_30 = tpu.memref_slice %arg4[%mul3A_24] : memref<320000xi32, #tpu.memory_space<hbm>> -> memref<128xi32, #tpu.memory_space<hbm>>
          tpu.enqueue_dma source(%dma_start3A_30 : memref<128xi32, #tpu.memory_space<hbm>>) target(%arg8 : memref<128xi32, #tpu.memory_space<vmem>>) target_semaphore(%run_scoped3A : memref<!tpu.dma_semaphore, #tpu.memory_space<semaphore_mem>>)
          %dma_wait3A_31 = tpu.memref_slice %arg4[%mul3A_24] : memref<320000xi32, #tpu.memory_space<hbm>> -> memref<128xi32, #tpu.memory_space<hbm>>
          %dma_wait3A_32 = tpu.memref_slice %arg4[%mul3A_24] : memref<320000xi32, #tpu.memory_space<hbm>> -> memref<128xi32, #tpu.memory_space<hbm>>
          tpu.wait_dma2 semaphore(%run_scoped3A : memref<!tpu.dma_semaphore, #tpu.memory_space<semaphore_mem>>) src(%dma_wait3A_32 : memref<128xi32, #tpu.memory_space<hbm>>) dst(%arg8 : memref<128xi32, #tpu.memory_space<vmem>>)
          tpu.yield
        }) : () -> ()
        %dma_start3A = arith.constant 0 : i32
        %dma_start3A_25 = arith.constant 0 : i32
        %dma_start3A_26 = tpu.memref_slice %arg2[%dma_start3A, %dma_start3A_25] : memref<10000x128xf32, #tpu.memory_space<hbm>> -> memref<10000x128xf32, #tpu.memory_space<hbm>>
        tpu.enqueue_indirect_dma source(%dma_start3A_26 : memref<10000x128xf32, #tpu.memory_space<hbm>>) target(%arg9 : memref<128x128xf32, #tpu.memory_space<vmem>>) offsets(%arg7 : memref<128xi32, #tpu.memory_space<vmem>>) semaphore(%arg11 : memref<!tpu.dma_semaphore, #tpu.memory_space<semaphore_mem>>)
        %dma_wait3A = arith.constant 0 : i32
        %dma_wait3A_27 = arith.constant 0 : i32
        %dma_wait3A_28 = tpu.memref_slice %arg2[%dma_wait3A, %dma_wait3A_27] : memref<10000x128xf32, #tpu.memory_space<hbm>> -> memref<10000x128xf32, #tpu.memory_space<hbm>>
        tpu.wait_indirect_dma semaphore(%arg11 : memref<!tpu.dma_semaphore, #tpu.memory_space<semaphore_mem>>) src(%dma_wait3A_28 : memref<10000x128xf32, #tpu.memory_space<hbm>>) dst(%arg9 : memref<128x128xf32, #tpu.memory_space<vmem>>)
        "tpu.region"() ({
          %run_scoped3A = tpu.sem_alloc : memref<!tpu.dma_semaphore, #tpu.memory_space<semaphore_mem>>
          %dma_start3A_29 = arith.constant 0 : i32
          %dma_start3A_30 = arith.constant 0 : i32
          %dma_start3A_31 = tpu.memref_slice %arg10[%dma_start3A_29, %dma_start3A_30] : memref<10240x128xf32, #tpu.memory_space<vmem_shared>> -> memref<10240x128xf32, #tpu.memory_space<vmem_shared>>
          tpu.enqueue_indirect_dma source(%arg9 : memref<128x128xf32, #tpu.memory_space<vmem>>) target(%dma_start3A_31 : memref<10240x128xf32, #tpu.memory_space<vmem_shared>>) offsets(%arg8 : memref<128xi32, #tpu.memory_space<vmem>>) semaphore(%run_scoped3A : memref<!tpu.dma_semaphore, #tpu.memory_space<semaphore_mem>>) {add = true}
          %dma_wait3A_32 = arith.constant 0 : i32
          %dma_wait3A_33 = arith.constant 0 : i32
          %dma_wait3A_34 = tpu.memref_slice %arg10[%dma_wait3A_32, %dma_wait3A_33] : memref<10240x128xf32, #tpu.memory_space<vmem_shared>> -> memref<10240x128xf32, #tpu.memory_space<vmem_shared>>
          tpu.wait_indirect_dma semaphore(%run_scoped3A : memref<!tpu.dma_semaphore, #tpu.memory_space<semaphore_mem>>) src(%arg9 : memref<128x128xf32, #tpu.memory_space<vmem>>) dst(%dma_wait3A_34 : memref<10240x128xf32, #tpu.memory_space<vmem_shared>>)
          tpu.yield
        }) : () -> ()
      } else {
      }
    }
    %scan3A_9 = arith.constant 79 : i32
    %barrier3A_10 = arith.constant 0 : index
    tpu.barrier barrier_id(%barrier3A_10)
    %mul3A_11 = arith.constant 640 : i32
    %mul3A_12 = arith.muli %arg1, %mul3A_11 : i32
    %mul3A_13 = arith.constant 640 : i32
    %mul3A_14 = arith.muli %arg1, %mul3A_13 : i32
    "tpu.region"() ({
      %run_scoped3A = tpu.sem_alloc : memref<!tpu.dma_semaphore, #tpu.memory_space<semaphore_mem>>
      %dma_start3A = arith.constant 0 : i32
      %dma_start3A_15 = tpu.memref_slice %arg6[%arg0, %mul3A_14, %dma_start3A] : memref<2x10240x128xf32, #tpu.memory_space<hbm>> -> memref<1x640x128xf32, #tpu.memory_space<hbm>>
      %dma_start3A_16 = tpu.memref_squeeze %dma_start3A_15 : memref<1x640x128xf32, #tpu.memory_space<hbm>> -> memref<640x128xf32, #tpu.memory_space<hbm>>
      %dma_start3A_17 = arith.constant 0 : i32
      %dma_start3A_18 = tpu.memref_slice %arg10[%mul3A_12, %dma_start3A_17] : memref<10240x128xf32, #tpu.memory_space<vmem_shared>> -> memref<640x128xf32, #tpu.memory_space<vmem_shared>>
      tpu.enqueue_dma source(%dma_start3A_18 : memref<640x128xf32, #tpu.memory_space<vmem_shared>>) target(%dma_start3A_16 : memref<640x128xf32, #tpu.memory_space<hbm>>) target_semaphore(%run_scoped3A : memref<!tpu.dma_semaphore, #tpu.memory_space<semaphore_mem>>)
      %dma_wait3A = arith.constant 0 : i32
      %dma_wait3A_19 = tpu.memref_slice %arg6[%arg0, %mul3A_14, %dma_wait3A] : memref<2x10240x128xf32, #tpu.memory_space<hbm>> -> memref<1x640x128xf32, #tpu.memory_space<hbm>>
      %dma_wait3A_20 = tpu.memref_squeeze %dma_wait3A_19 : memref<1x640x128xf32, #tpu.memory_space<hbm>> -> memref<640x128xf32, #tpu.memory_space<hbm>>
      %dma_wait3A_21 = arith.constant 0 : i32
      %dma_wait3A_22 = tpu.memref_slice %arg10[%mul3A_12, %dma_wait3A_21] : memref<10240x128xf32, #tpu.memory_space<vmem_shared>> -> memref<640x128xf32, #tpu.memory_space<vmem_shared>>
      tpu.wait_dma2 semaphore(%run_scoped3A : memref<!tpu.dma_semaphore, #tpu.memory_space<semaphore_mem>>) src(%dma_wait3A_22 : memref<640x128xf32, #tpu.memory_space<vmem_shared>>) dst(%dma_wait3A_20 : memref<640x128xf32, #tpu.memory_space<hbm>>)
      tpu.yield
    }) : () -> ()
    return
  }
}

#map = affine_map<(d0, d1) -> (0, 0)>
#map1 = affine_map<(d0, d1) -> (0)>
#map2 = affine_map<(d0, d1) -> (0, 0, 0)>
module attributes {stable_mosaic.version = 14 : i64} {
  func.func @_agg_kernel(%arg0: i32, %arg1: i32, %arg2: memref<10000x128xf32, #tpu.memory_space<hbm>>, %arg3: memref<320000xi32, #tpu.memory_space<hbm>>, %arg4: memref<320000xi32, #tpu.memory_space<hbm>>, %arg5: memref<10240x128xf32, #tpu.memory_space<hbm>>, %arg6: memref<2x10240x128xf32, #tpu.memory_space<hbm>>, %arg7: memref<128xi32, #tpu.memory_space<vmem>>, %arg8: memref<128xi32, #tpu.memory_space<vmem>>, %arg9: memref<128x128xf32, #tpu.memory_space<vmem>>, %arg10: memref<10240x128xf32, #tpu.memory_space<vmem_shared>>, %arg11: memref<!tpu.dma_semaphore, #tpu.memory_space<semaphore_mem>>) attributes {dimension_semantics = [#tpu.dimension_semantics<core_parallel>, #tpu.dimension_semantics<subcore_parallel>], iteration_bounds = array<i64: 2, 16>, scalar_prefetch = 0 : i64, scratch_operands = 5 : i64, tpu.core_type = #tpu.core_type<sc_vector_subcore>, window_params = [{transform_indices = #map}, {transform_indices = #map1}, {transform_indices = #map1}, {transform_indices = #map}, {transform_indices = #map2}]} {
    %mul3A = arith.constant 16 : i32
    %mul3A_0 = arith.muli %arg0, %mul3A : i32
    %add3A = arith.addi %mul3A_0, %arg1 : i32
    %mul3A_1 = arith.constant 640 : i32
    %mul3A_2 = arith.muli %arg1, %mul3A_1 : i32
    %mul3A_3 = arith.constant 640 : i32
    %mul3A_4 = arith.muli %arg1, %mul3A_3 : i32
    "tpu.region"() ({
      %run_scoped3A = tpu.sem_alloc : memref<!tpu.dma_semaphore, #tpu.memory_space<semaphore_mem>>
      %dma_start3A = arith.constant 0 : i32
      %dma_start3A_15 = tpu.memref_slice %arg10[%mul3A_4, %dma_start3A] : memref<10240x128xf32, #tpu.memory_space<vmem_shared>> -> memref<640x128xf32, #tpu.memory_space<vmem_shared>>
      %dma_start3A_16 = arith.constant 0 : i32
      %dma_start3A_17 = tpu.memref_slice %arg5[%mul3A_2, %dma_start3A_16] : memref<10240x128xf32, #tpu.memory_space<hbm>> -> memref<640x128xf32, #tpu.memory_space<hbm>>
      tpu.enqueue_dma source(%dma_start3A_17 : memref<640x128xf32, #tpu.memory_space<hbm>>) target(%dma_start3A_15 : memref<640x128xf32, #tpu.memory_space<vmem_shared>>) target_semaphore(%run_scoped3A : memref<!tpu.dma_semaphore, #tpu.memory_space<semaphore_mem>>)
      %dma_wait3A = arith.constant 0 : i32
      %dma_wait3A_18 = tpu.memref_slice %arg10[%mul3A_4, %dma_wait3A] : memref<10240x128xf32, #tpu.memory_space<vmem_shared>> -> memref<640x128xf32, #tpu.memory_space<vmem_shared>>
      %dma_wait3A_19 = arith.constant 0 : i32
      %dma_wait3A_20 = tpu.memref_slice %arg5[%mul3A_2, %dma_wait3A_19] : memref<10240x128xf32, #tpu.memory_space<hbm>> -> memref<640x128xf32, #tpu.memory_space<hbm>>
      tpu.wait_dma2 semaphore(%run_scoped3A : memref<!tpu.dma_semaphore, #tpu.memory_space<semaphore_mem>>) src(%dma_wait3A_20 : memref<640x128xf32, #tpu.memory_space<hbm>>) dst(%dma_wait3A_18 : memref<640x128xf32, #tpu.memory_space<vmem_shared>>)
      tpu.yield
    }) : () -> ()
    %barrier3A = arith.constant 0 : index
    tpu.barrier barrier_id(%barrier3A)
    %scan3A = arith.constant 0 : i32
    %scan3A_5 = arith.constant 0 : i32
    %scan3A_6 = arith.constant 79 : i32
    %scan3A_7 = arith.addi %scan3A_5, %scan3A_6 : i32
    %scan3A_8 = arith.constant 1 : i32
    scf.for %scan3A_15 = %scan3A_5 to %scan3A_7 step %scan3A_8  : i32 {
      %mul3A_16 = arith.constant 32 : i32
      %mul3A_17 = arith.muli %scan3A_15, %mul3A_16 : i32
      %add3A_18 = arith.addi %add3A, %mul3A_17 : i32
      %lt3A = arith.constant 2500 : i32
      %lt3A_19 = arith.cmpi slt, %add3A_18, %lt3A : i32
      %convert_element_type3A = arith.extui %lt3A_19 : i1 to i32
      %cond3A = arith.constant 0 : i32
      %cond3A_20 = arith.cmpi ne, %convert_element_type3A, %cond3A : i32
      scf.if %cond3A_20 {
        %mul3A_21 = arith.constant 128 : i32
        %mul3A_22 = arith.muli %add3A_18, %mul3A_21 : i32
        "tpu.region"() ({
          %run_scoped3A = tpu.sem_alloc : memref<!tpu.dma_semaphore, #tpu.memory_space<semaphore_mem>>
          %dma_start3A_29 = tpu.memref_slice %arg3[%mul3A_22] : memref<320000xi32, #tpu.memory_space<hbm>> -> memref<128xi32, #tpu.memory_space<hbm>>
          %dma_start3A_30 = tpu.memref_slice %arg3[%mul3A_22] : memref<320000xi32, #tpu.memory_space<hbm>> -> memref<128xi32, #tpu.memory_space<hbm>>
          tpu.enqueue_dma source(%dma_start3A_30 : memref<128xi32, #tpu.memory_space<hbm>>) target(%arg7 : memref<128xi32, #tpu.memory_space<vmem>>) target_semaphore(%run_scoped3A : memref<!tpu.dma_semaphore, #tpu.memory_space<semaphore_mem>>)
          %dma_wait3A_31 = tpu.memref_slice %arg3[%mul3A_22] : memref<320000xi32, #tpu.memory_space<hbm>> -> memref<128xi32, #tpu.memory_space<hbm>>
          %dma_wait3A_32 = tpu.memref_slice %arg3[%mul3A_22] : memref<320000xi32, #tpu.memory_space<hbm>> -> memref<128xi32, #tpu.memory_space<hbm>>
          tpu.wait_dma2 semaphore(%run_scoped3A : memref<!tpu.dma_semaphore, #tpu.memory_space<semaphore_mem>>) src(%dma_wait3A_32 : memref<128xi32, #tpu.memory_space<hbm>>) dst(%arg7 : memref<128xi32, #tpu.memory_space<vmem>>)
          tpu.yield
        }) : () -> ()
        %mul3A_23 = arith.constant 128 : i32
        %mul3A_24 = arith.muli %add3A_18, %mul3A_23 : i32
        "tpu.region"() ({
          %run_scoped3A = tpu.sem_alloc : memref<!tpu.dma_semaphore, #tpu.memory_space<semaphore_mem>>
          %dma_start3A_29 = tpu.memref_slice %arg4[%mul3A_24] : memref<320000xi32, #tpu.memory_space<hbm>> -> memref<128xi32, #tpu.memory_space<hbm>>
          %dma_start3A_30 = tpu.memref_slice %arg4[%mul3A_24] : memref<320000xi32, #tpu.memory_space<hbm>> -> memref<128xi32, #tpu.memory_space<hbm>>
          tpu.enqueue_dma source(%dma_start3A_30 : memref<128xi32, #tpu.memory_space<hbm>>) target(%arg8 : memref<128xi32, #tpu.memory_space<vmem>>) target_semaphore(%run_scoped3A : memref<!tpu.dma_semaphore, #tpu.memory_space<semaphore_mem>>)
          %dma_wait3A_31 = tpu.memref_slice %arg4[%mul3A_24] : memref<320000xi32, #tpu.memory_space<hbm>> -> memref<128xi32, #tpu.memory_space<hbm>>
          %dma_wait3A_32 = tpu.memref_slice %arg4[%mul3A_24] : memref<320000xi32, #tpu.memory_space<hbm>> -> memref<128xi32, #tpu.memory_space<hbm>>
          tpu.wait_dma2 semaphore(%run_scoped3A : memref<!tpu.dma_semaphore, #tpu.memory_space<semaphore_mem>>) src(%dma_wait3A_32 : memref<128xi32, #tpu.memory_space<hbm>>) dst(%arg8 : memref<128xi32, #tpu.memory_space<vmem>>)
          tpu.yield
        }) : () -> ()
        %dma_start3A = arith.constant 0 : i32
        %dma_start3A_25 = arith.constant 0 : i32
        %dma_start3A_26 = tpu.memref_slice %arg2[%dma_start3A, %dma_start3A_25] : memref<10000x128xf32, #tpu.memory_space<hbm>> -> memref<10000x128xf32, #tpu.memory_space<hbm>>
        tpu.enqueue_indirect_dma source(%dma_start3A_26 : memref<10000x128xf32, #tpu.memory_space<hbm>>) target(%arg9 : memref<128x128xf32, #tpu.memory_space<vmem>>) offsets(%arg7 : memref<128xi32, #tpu.memory_space<vmem>>) semaphore(%arg11 : memref<!tpu.dma_semaphore, #tpu.memory_space<semaphore_mem>>)
        %dma_wait3A = arith.constant 0 : i32
        %dma_wait3A_27 = arith.constant 0 : i32
        %dma_wait3A_28 = tpu.memref_slice %arg2[%dma_wait3A, %dma_wait3A_27] : memref<10000x128xf32, #tpu.memory_space<hbm>> -> memref<10000x128xf32, #tpu.memory_space<hbm>>
        tpu.wait_indirect_dma semaphore(%arg11 : memref<!tpu.dma_semaphore, #tpu.memory_space<semaphore_mem>>) src(%dma_wait3A_28 : memref<10000x128xf32, #tpu.memory_space<hbm>>) dst(%arg9 : memref<128x128xf32, #tpu.memory_space<vmem>>)
        "tpu.region"() ({
          %run_scoped3A = tpu.sem_alloc : memref<!tpu.dma_semaphore, #tpu.memory_space<semaphore_mem>>
          %dma_start3A_29 = arith.constant 0 : i32
          %dma_start3A_30 = arith.constant 0 : i32
          %dma_start3A_31 = tpu.memref_slice %arg10[%dma_start3A_29, %dma_start3A_30] : memref<10240x128xf32, #tpu.memory_space<vmem_shared>> -> memref<10240x128xf32, #tpu.memory_space<vmem_shared>>
          tpu.enqueue_indirect_dma source(%arg9 : memref<128x128xf32, #tpu.memory_space<vmem>>) target(%dma_start3A_31 : memref<10240x128xf32, #tpu.memory_space<vmem_shared>>) offsets(%arg8 : memref<128xi32, #tpu.memory_space<vmem>>) semaphore(%run_scoped3A : memref<!tpu.dma_semaphore, #tpu.memory_space<semaphore_mem>>) {add = true}
          %dma_wait3A_32 = arith.constant 0 : i32
          %dma_wait3A_33 = arith.constant 0 : i32
          %dma_wait3A_34 = tpu.memref_slice %arg10[%dma_wait3A_32, %dma_wait3A_33] : memref<10240x128xf32, #tpu.memory_space<vmem_shared>> -> memref<10240x128xf32, #tpu.memory_space<vmem_shared>>
          tpu.wait_indirect_dma semaphore(%run_scoped3A : memref<!tpu.dma_semaphore, #tpu.memory_space<semaphore_mem>>) src(%arg9 : memref<128x128xf32, #tpu.memory_space<vmem>>) dst(%dma_wait3A_34 : memref<10240x128xf32, #tpu.memory_space<vmem_shared>>)
          tpu.yield
        }) : () -> ()
      } else {
      }
    }
    %scan3A_9 = arith.constant 79 : i32
    %barrier3A_10 = arith.constant 0 : index
    tpu.barrier barrier_id(%barrier3A_10)
    %mul3A_11 = arith.constant 640 : i32
    %mul3A_12 = arith.muli %arg1, %mul3A_11 : i32
    %mul3A_13 = arith.constant 640 : i32
    %mul3A_14 = arith.muli %arg1, %mul3A_13 : i32
    "tpu.region"() ({
      %run_scoped3A = tpu.sem_alloc : memref<!tpu.dma_semaphore, #tpu.memory_space<semaphore_mem>>
      %dma_start3A = arith.constant 0 : i32
      %dma_start3A_15 = tpu.memref_slice %arg6[%arg0, %mul3A_14, %dma_start3A] : memref<2x10240x128xf32, #tpu.memory_space<hbm>> -> memref<1x640x128xf32, #tpu.memory_space<hbm>>
      %dma_start3A_16 = tpu.memref_squeeze %dma_start3A_15 : memref<1x640x128xf32, #tpu.memory_space<hbm>> -> memref<640x128xf32, #tpu.memory_space<hbm>>
      %dma_start3A_17 = arith.constant 0 : i32
      %dma_start3A_18 = tpu.memref_slice %arg10[%mul3A_12, %dma_start3A_17] : memref<10240x128xf32, #tpu.memory_space<vmem_shared>> -> memref<640x128xf32, #tpu.memory_space<vmem_shared>>
      tpu.enqueue_dma source(%dma_start3A_18 : memref<640x128xf32, #tpu.memory_space<vmem_shared>>) target(%dma_start3A_16 : memref<640x128xf32, #tpu.memory_space<hbm>>) target_semaphore(%run_scoped3A : memref<!tpu.dma_semaphore, #tpu.memory_space<semaphore_mem>>)
      %dma_wait3A = arith.constant 0 : i32
      %dma_wait3A_19 = tpu.memref_slice %arg6[%arg0, %mul3A_14, %dma_wait3A] : memref<2x10240x128xf32, #tpu.memory_space<hbm>> -> memref<1x640x128xf32, #tpu.memory_space<hbm>>
      %dma_wait3A_20 = tpu.memref_squeeze %dma_wait3A_19 : memref<1x640x128xf32, #tpu.memory_space<hbm>> -> memref<640x128xf32, #tpu.memory_space<hbm>>
      %dma_wait3A_21 = arith.constant 0 : i32
      %dma_wait3A_22 = tpu.memref_slice %arg10[%mul3A_12, %dma_wait3A_21] : memref<10240x128xf32, #tpu.memory_space<vmem_shared>> -> memref<640x128xf32, #tpu.memory_space<vmem_shared>>
      tpu.wait_dma2 semaphore(%run_scoped3A : memref<!tpu.dma_semaphore, #tpu.memory_space<semaphore_mem>>) src(%dma_wait3A_22 : memref<640x128xf32, #tpu.memory_space<vmem_shared>>) dst(%dma_wait3A_20 : memref<640x128xf32, #tpu.memory_space<hbm>>)
      tpu.yield
    }) : () -> ()
    return
  }
}

module attributes {stable_mosaic.version = 14 : i64} {
  func.func @_t0_body(%arg0: memref<10000x128xf32, #tpu.memory_space<vmem>>, %arg1: memref<128x128xf32, #tpu.memory_space<vmem>>, %arg2: memref<2x10240x128xf32, #tpu.memory_space<vmem>>, %arg3: memref<10000x128xf32, #tpu.memory_space<vmem>>, %arg4: memref<10000x1xf32, #tpu.memory_space<vmem>>) attributes {dimension_semantics = [], scalar_prefetch = 0 : i64, scratch_operands = 0 : i64, tpu.core_type = #tpu.core_type<tc>} {
    %get3A = arith.constant 0 : index
    %get3A_0 = arith.constant 0 : index
    %get3A_1 = arith.constant 0 : index
    %get3A_2 = vector.load %arg2[%get3A, %get3A_0, %get3A_1] : memref<2x10240x128xf32, #tpu.memory_space<vmem>>, vector<1x10000x1xf32>
    %get3A_3 = vector.shape_cast %get3A_2 : vector<1x10000x1xf32> to vector<10000x1xf32>
    %get3A_4 = arith.constant 1 : index
    %get3A_5 = arith.constant 0 : index
    %get3A_6 = arith.constant 0 : index
    %get3A_7 = vector.load %arg2[%get3A_4, %get3A_5, %get3A_6] : memref<2x10240x128xf32, #tpu.memory_space<vmem>>, vector<1x10000x1xf32>
    %get3A_8 = vector.shape_cast %get3A_7 : vector<1x10000x1xf32> to vector<10000x1xf32>
    %add3A = arith.addf %get3A_3, %get3A_8 : vector<10000x1xf32>
    %add3A_9 = arith.constant 1.000000e+00 : f32
    %add3A_10 = vector.broadcast %add3A_9 : f32 to vector<10000x1xf32>
    %add3A_11 = arith.addf %add3A, %add3A_10 : vector<10000x1xf32>
    %rsqrt3A = math.rsqrt %add3A_11 : vector<10000x1xf32>
    %get3A_12 = arith.constant 0 : index
    %get3A_13 = arith.constant 0 : index
    %get3A_14 = vector.load %arg0[%get3A_12, %get3A_13] : memref<10000x128xf32, #tpu.memory_space<vmem>>, vector<10000x128xf32>
    %get3A_15 = arith.constant 0 : index
    %get3A_16 = arith.constant 0 : index
    %get3A_17 = vector.load %arg1[%get3A_15, %get3A_16] : memref<128x128xf32, #tpu.memory_space<vmem>>, vector<128x128xf32>
    %dot_general3A = arith.constant dense<0.000000e+00> : vector<10000x128xf32>
    %dot_general3A_18 = tpu.matmul %get3A_14, %get3A_17, %dot_general3A {dimension_numbers = #tpu.dot_dimension_numbers<[1], [0], [0], [1], [0, 0, 1, 1], [], []>, transpose_lhs_hint = false} : vector<10000x128xf32>, vector<128x128xf32>, vector<10000x128xf32> -> vector<10000x128xf32>
    %swap3A = arith.constant 0 : index
    %swap3A_19 = arith.constant 0 : index
    %swap3A_20 = vector.load %arg4[%swap3A, %swap3A_19] : memref<10000x1xf32, #tpu.memory_space<vmem>>, vector<10000x1xf32>
    tpu.vector_store %arg4[%swap3A, %swap3A_19], %rsqrt3A {strides = array<i32>} : memref<10000x1xf32, #tpu.memory_space<vmem>>, vector<10000x1xf32>,
    %mul3A = vector.broadcast %rsqrt3A : vector<10000x1xf32> to vector<10000x128xf32>
    %mul3A_21 = arith.mulf %mul3A, %dot_general3A_18 : vector<10000x128xf32>
    %swap3A_22 = arith.constant 0 : index
    %swap3A_23 = arith.constant 0 : index
    %swap3A_24 = vector.load %arg3[%swap3A_22, %swap3A_23] : memref<10000x128xf32, #tpu.memory_space<vmem>>, vector<10000x128xf32>
    tpu.vector_store %arg3[%swap3A_22, %swap3A_23], %mul3A_21 {strides = array<i32>} : memref<10000x128xf32, #tpu.memory_space<vmem>>, vector<10000x128xf32>,
    return
  }
}

module attributes {stable_mosaic.version = 14 : i64} {
  func.func @_t1_body(%arg0: memref<2x10240x128xf32, #tpu.memory_space<vmem>>, %arg1: memref<10000x128xf32, #tpu.memory_space<vmem>>, %arg2: memref<10000x1xf32, #tpu.memory_space<vmem>>, %arg3: memref<1x128xf32, #tpu.memory_space<vmem>>, %arg4: memref<128x128xf32, #tpu.memory_space<vmem>>, %arg5: memref<10000x128xf32, #tpu.memory_space<vmem>>) attributes {dimension_semantics = [], scalar_prefetch = 0 : i64, scratch_operands = 0 : i64, tpu.core_type = #tpu.core_type<tc>} {
    %get3A = arith.constant 0 : index
    %get3A_0 = arith.constant 0 : index
    %get3A_1 = vector.load %arg2[%get3A, %get3A_0] : memref<10000x1xf32, #tpu.memory_space<vmem>>, vector<10000x1xf32>
    %get3A_2 = arith.constant 0 : index
    %get3A_3 = arith.constant 0 : index
    %get3A_4 = arith.constant 0 : index
    %get3A_5 = vector.load %arg0[%get3A_2, %get3A_3, %get3A_4] : memref<2x10240x128xf32, #tpu.memory_space<vmem>>, vector<1x10000x128xf32>
    %get3A_6 = vector.shape_cast %get3A_5 : vector<1x10000x128xf32> to vector<10000x128xf32>
    %get3A_7 = arith.constant 1 : index
    %get3A_8 = arith.constant 0 : index
    %get3A_9 = arith.constant 0 : index
    %get3A_10 = vector.load %arg0[%get3A_7, %get3A_8, %get3A_9] : memref<2x10240x128xf32, #tpu.memory_space<vmem>>, vector<1x10000x128xf32>
    %get3A_11 = vector.shape_cast %get3A_10 : vector<1x10000x128xf32> to vector<10000x128xf32>
    %add3A = arith.addf %get3A_6, %get3A_11 : vector<10000x128xf32>
    %get3A_12 = arith.constant 0 : index
    %get3A_13 = arith.constant 0 : index
    %get3A_14 = vector.load %arg1[%get3A_12, %get3A_13] : memref<10000x128xf32, #tpu.memory_space<vmem>>, vector<10000x128xf32>
    %add3A_15 = arith.addf %add3A, %get3A_14 : vector<10000x128xf32>
    %mul3A = vector.broadcast %get3A_1 : vector<10000x1xf32> to vector<10000x128xf32>
    %mul3A_16 = arith.mulf %mul3A, %add3A_15 : vector<10000x128xf32>
    %get3A_17 = arith.constant 0 : index
    %get3A_18 = arith.constant 0 : index
    %get3A_19 = vector.load %arg3[%get3A_17, %get3A_18] : memref<1x128xf32, #tpu.memory_space<vmem>>, vector<1x128xf32>
    %add3A_20 = vector.broadcast %get3A_19 : vector<1x128xf32> to vector<10000x128xf32>
    %add3A_21 = arith.addf %mul3A_16, %add3A_20 : vector<10000x128xf32>
    %max3A = arith.constant 0.000000e+00 : f32
    %max3A_22 = vector.broadcast %max3A : f32 to vector<10000x128xf32>
    %max3A_23 = arith.maximumf %add3A_21, %max3A_22 : vector<10000x128xf32>
    %get3A_24 = arith.constant 0 : index
    %get3A_25 = arith.constant 0 : index
    %get3A_26 = vector.load %arg4[%get3A_24, %get3A_25] : memref<128x128xf32, #tpu.memory_space<vmem>>, vector<128x128xf32>
    %dot_general3A = arith.constant dense<0.000000e+00> : vector<10000x128xf32>
    %dot_general3A_27 = tpu.matmul %max3A_23, %get3A_26, %dot_general3A {dimension_numbers = #tpu.dot_dimension_numbers<[1], [0], [0], [1], [0, 0, 1, 1], [], []>, transpose_lhs_hint = false} : vector<10000x128xf32>, vector<128x128xf32>, vector<10000x128xf32> -> vector<10000x128xf32>
    %mul3A_28 = vector.broadcast %get3A_1 : vector<10000x1xf32> to vector<10000x128xf32>
    %mul3A_29 = arith.mulf %mul3A_28, %dot_general3A_27 : vector<10000x128xf32>
    %swap3A = arith.constant 0 : index
    %swap3A_30 = arith.constant 0 : index
    %swap3A_31 = vector.load %arg5[%swap3A, %swap3A_30] : memref<10000x128xf32, #tpu.memory_space<vmem>>, vector<10000x128xf32>
    tpu.vector_store %arg5[%swap3A, %swap3A_30], %mul3A_29 {strides = array<i32>} : memref<10000x128xf32, #tpu.memory_space<vmem>>, vector<10000x128xf32>,
    return
  }
}

module attributes {stable_mosaic.version = 14 : i64} {
  func.func @_t2_body(%arg0: memref<2x10240x128xf32, #tpu.memory_space<vmem>>, %arg1: memref<10000x128xf32, #tpu.memory_space<vmem>>, %arg2: memref<10000x1xf32, #tpu.memory_space<vmem>>, %arg3: memref<1x128xf32, #tpu.memory_space<vmem>>, %arg4: memref<10000x1xi32, #tpu.memory_space<vmem>>, %arg5: memref<128x128xf32, #tpu.memory_space<vmem>>, %arg6: memref<1x128xf32, #tpu.memory_space<vmem>>, %arg7: memref<128x10xf32, #tpu.memory_space<vmem>>, %arg8: memref<1x10xf32, #tpu.memory_space<vmem>>, %arg9: memref<64x10xf32, #tpu.memory_space<vmem>>) attributes {dimension_semantics = [], scalar_prefetch = 0 : i64, scratch_operands = 0 : i64, tpu.core_type = #tpu.core_type<tc>} {
    %get3A = arith.constant 0 : index
    %get3A_0 = arith.constant 0 : index
    %get3A_1 = vector.load %arg2[%get3A, %get3A_0] : memref<10000x1xf32, #tpu.memory_space<vmem>>, vector<10000x1xf32>
    %get3A_2 = arith.constant 0 : index
    %get3A_3 = arith.constant 0 : index
    %get3A_4 = arith.constant 0 : index
    %get3A_5 = vector.load %arg0[%get3A_2, %get3A_3, %get3A_4] : memref<2x10240x128xf32, #tpu.memory_space<vmem>>, vector<1x10000x128xf32>
    %get3A_6 = vector.shape_cast %get3A_5 : vector<1x10000x128xf32> to vector<10000x128xf32>
    %get3A_7 = arith.constant 1 : index
    %get3A_8 = arith.constant 0 : index
    %get3A_9 = arith.constant 0 : index
    %get3A_10 = vector.load %arg0[%get3A_7, %get3A_8, %get3A_9] : memref<2x10240x128xf32, #tpu.memory_space<vmem>>, vector<1x10000x128xf32>
    %get3A_11 = vector.shape_cast %get3A_10 : vector<1x10000x128xf32> to vector<10000x128xf32>
    %add3A = arith.addf %get3A_6, %get3A_11 : vector<10000x128xf32>
    %get3A_12 = arith.constant 0 : index
    %get3A_13 = arith.constant 0 : index
    %get3A_14 = vector.load %arg1[%get3A_12, %get3A_13] : memref<10000x128xf32, #tpu.memory_space<vmem>>, vector<10000x128xf32>
    %add3A_15 = arith.addf %add3A, %get3A_14 : vector<10000x128xf32>
    %mul3A = vector.broadcast %get3A_1 : vector<10000x1xf32> to vector<10000x128xf32>
    %mul3A_16 = arith.mulf %mul3A, %add3A_15 : vector<10000x128xf32>
    %get3A_17 = arith.constant 0 : index
    %get3A_18 = arith.constant 0 : index
    %get3A_19 = vector.load %arg3[%get3A_17, %get3A_18] : memref<1x128xf32, #tpu.memory_space<vmem>>, vector<1x128xf32>
    %add3A_20 = vector.broadcast %get3A_19 : vector<1x128xf32> to vector<10000x128xf32>
    %add3A_21 = arith.addf %mul3A_16, %add3A_20 : vector<10000x128xf32>
    %max3A = arith.constant 0.000000e+00 : f32
    %max3A_22 = vector.broadcast %max3A : f32 to vector<10000x128xf32>
    %max3A_23 = arith.maximumf %add3A_21, %max3A_22 : vector<10000x128xf32>
    %iota3A = tpu.iota {dimensions = array<i32: 1>} : vector<10000x64xi32>
    %get3A_24 = arith.constant 0 : index
    %get3A_25 = arith.constant 0 : index
    %get3A_26 = vector.load %arg4[%get3A_24, %get3A_25] : memref<10000x1xi32, #tpu.memory_space<vmem>>, vector<10000x1xi32>
    %eq3A = vector.broadcast %get3A_26 : vector<10000x1xi32> to vector<10000x64xi32>
    %eq3A_27 = arith.cmpi eq, %eq3A, %iota3A : vector<10000x64xi32>
    %jit3A = arith.constant 1.562500e-02 : f32
    %jit3A_28 = arith.constant 0.000000e+00 : f32
    %broadcast_in_dim3A = vector.broadcast %jit3A : f32 to vector<10000x64xf32>
    %broadcast_in_dim3A_29 = vector.broadcast %jit3A_28 : f32 to vector<10000x64xf32>
    %select_n3A = arith.select %eq3A_27, %broadcast_in_dim3A, %broadcast_in_dim3A_29 : vector<10000x64xi1>, vector<10000x64xf32>
    %dot_general3A = arith.constant dense<0.000000e+00> : vector<64x128xf32>
    %dot_general3A_30 = tpu.matmul %select_n3A, %max3A_23, %dot_general3A {dimension_numbers = #tpu.dot_dimension_numbers<[0], [0], [1], [1], [0, 1, 1, 1], [], []>, transpose_lhs_hint = false} : vector<10000x64xf32>, vector<10000x128xf32>, vector<64x128xf32> -> vector<64x128xf32>
    %get3A_31 = arith.constant 0 : index
    %get3A_32 = arith.constant 0 : index
    %get3A_33 = vector.load %arg5[%get3A_31, %get3A_32] : memref<128x128xf32, #tpu.memory_space<vmem>>, vector<128x128xf32>
    %dot_general3A_34 = arith.constant dense<0.000000e+00> : vector<64x128xf32>
    %dot_general3A_35 = tpu.matmul %dot_general3A_30, %get3A_33, %dot_general3A_34 {dimension_numbers = #tpu.dot_dimension_numbers<[1], [0], [0], [1], [0, 0, 1, 1], [], []>, transpose_lhs_hint = false} : vector<64x128xf32>, vector<128x128xf32>, vector<64x128xf32> -> vector<64x128xf32>
    %get3A_36 = arith.constant 0 : index
    %get3A_37 = arith.constant 0 : index
    %get3A_38 = vector.load %arg6[%get3A_36, %get3A_37] : memref<1x128xf32, #tpu.memory_space<vmem>>, vector<1x128xf32>
    %add3A_39 = vector.broadcast %get3A_38 : vector<1x128xf32> to vector<64x128xf32>
    %add3A_40 = arith.addf %dot_general3A_35, %add3A_39 : vector<64x128xf32>
    %max3A_41 = arith.constant 0.000000e+00 : f32
    %max3A_42 = vector.broadcast %max3A_41 : f32 to vector<64x128xf32>
    %max3A_43 = arith.maximumf %add3A_40, %max3A_42 : vector<64x128xf32>
    %get3A_44 = arith.constant 0 : index
    %get3A_45 = arith.constant 0 : index
    %get3A_46 = vector.load %arg7[%get3A_44, %get3A_45] : memref<128x10xf32, #tpu.memory_space<vmem>>, vector<128x10xf32>
    %dot_general3A_47 = arith.constant dense<0.000000e+00> : vector<64x10xf32>
    %dot_general3A_48 = tpu.matmul %max3A_43, %get3A_46, %dot_general3A_47 {dimension_numbers = #tpu.dot_dimension_numbers<[1], [0], [0], [1], [0, 0, 1, 1], [], []>, transpose_lhs_hint = false} : vector<64x128xf32>, vector<128x10xf32>, vector<64x10xf32> -> vector<64x10xf32>
    %get3A_49 = arith.constant 0 : index
    %get3A_50 = arith.constant 0 : index
    %get3A_51 = vector.load %arg8[%get3A_49, %get3A_50] : memref<1x10xf32, #tpu.memory_space<vmem>>, vector<1x10xf32>
    %add3A_52 = vector.broadcast %get3A_51 : vector<1x10xf32> to vector<64x10xf32>
    %add3A_53 = arith.addf %dot_general3A_48, %add3A_52 : vector<64x10xf32>
    %swap3A = arith.constant 0 : index
    %swap3A_54 = arith.constant 0 : index
    %swap3A_55 = vector.load %arg9[%swap3A, %swap3A_54] : memref<64x10xf32, #tpu.memory_space<vmem>>, vector<64x10xf32>
    tpu.vector_store %arg9[%swap3A, %swap3A_54], %add3A_53 {strides = array<i32>} : memref<64x10xf32, #tpu.memory_space<vmem>>, vector<64x10xf32>,
    return
  }
}

</mosaic_0001>

<sc_bundles>
// kernel: kernel.11.cloned.1.call-start
scs
__scs_entry_jumppad:
0x0: {  	(pc) =	sbr.rel $0x88, $3  }
0x1: {  	(tag) =	ssettag $0x0;
	lr =	simm.s32 $0x1  }
0x2: {  	[smem:$0x3F96] =	sst lr;
	_ =	strace $0xD0000000  }
0x3: {  	_ = 	snop  }
0x4: {  	_ = 	snop  }
0x5: {  	_ = 	snop  }
0x6: {  	_ = 	snop  }
0x7: {  	_ = 	snop  }
__scs_overlays_trampoline_lowered:
0x8: {  	[smem:$0x3FA5] =	sst s0  }
0x9: {  	[smem:$0x3FA6] =	sst s1  }
0xa: {  	[smem:$0x3FA7] =	sst s2  }
0xb: {  	[smem:$0x3FA8] =	sst s3  }
0xc: {  	[smem:$0x3FA9] =	sst s4  }
0xd: {  	[smem:$0x3FAA] =	sst s5  }
0xe: {  	[smem:$0x3FAB] =	sst s6  }
0xf: {  	[smem:$0x3FAC] =	sst s7  }
0x10: {  	[smem:$0x3FAD] =	sst s8  }
0x11: {  	[smem:$0x3FAE] =	sst s9;
	s0 =	simm.s32 @!p0 $0x0  }
0x12: {  	s1 =	sld [smem:$0x3F94];
	s0 =	simm.s32 @p0 $0x1  }
0x13: {  	[smem:$0x3FAF] =	sst s0;
	s0 =	simm.s32 @!p1 $0x0  }
0x14: {  	s2 =	sld [smem:$0x3F93];
	s0 =	simm.s32 @p1 $0x1  }
0x15: {  	[smem:$0x3FB0] =	sst s0;
	s0 =	simm.s32 @!p2 $0x0  }
0x16: {  	s3 =	sld [smem:$0x3FDB];
	s0 =	simm.s32 @p2 $0x1  }
0x17: {  	s4 =	simm.s32 $0x1BF5;
	[smem:$0x3FB2] =	sst s0  }
0x18: {  	s0 =	sld [smem:$0x3F95];
	_ =	swait.ge [sflag:s4], $0x0  }
0x19: {  	s7 =	sld [smem:$0x3F96]  }
0x1a: {  	s8 =	sadd.s32 $0xFFFFE003, lr  }
0x1b: {  	s9 =	sadd.s32 $0xFFFFFEF7, lr;
	s5 =	simm.s32 $0xFFFFFFFF;
	p2 =	slt.u32 s8, $0xFFFFF086  }
0x1c: {  	p1 =	slt.u32 s9, $0xF7A;
	s5 =	simm.s32 @!p2 $0x0  }
0x1d: {  	s5 =	simm.s32 @p1 $0x1;
	p0 =	seq.s32 s7, s2  }
0x1e: {  	s7 =	smul.u32 @!p0 $0xF7A, s2;
	p2 =	seq.s32 @!p0 s5, $0x0  }
0x1f: {  	s9 =	smul.u32 $0xF7A, s1;
	s8 =	simm.s32 @!p0 $0x1BF5;
	p2 =	por !p2, p0  }
0x20: {  	[sflag:s8] =	ssyncset.s32 @!p0 $0xFFFFF086;
	s6 =	sadd.s32 @!p0 s3, s7;
	s7 =	simm.s32 @!p0 $0x108  }
0x21: {  	s3 =	sadd.s32 s3, s9;
	s6 =	sadd.s32 @!p0 $0x88, s6;
	s7 =	simm.s32 @p2 $0x1082  }
0x22: {  	[simem:s7], [sflag:s8] =	dma.local @!p0 [hbm:s6], $0xF7A  }
0x23: {  	s9 =	sor.u32 $0xD0000000, s2;
	s6 =	simm.s32 $0x108;
	_ =	swait.ge @!p0 [sflag:s8], $0x0  }
0x24: {  	s3 =	sadd.s32 $0x88, s3;
	s6 =	simm.s32 @!p1 $0x1082;
	[sflag:s4] =	ssyncset.s32 $0xFFFFF086  }
0x25: {  	[simem:s6], [sflag:s4] =	dma.local [hbm:s3], $0xF7A  }
0x26: {  	[smem:$0x3F96] =	sst s1;
	(tag) =	ssettag s2;
	_ =	strace s9  }
0x27: {  	s1 =	sld [smem:$0x3FA6]  }
0x28: {  	s2 =	sld [smem:$0x3FA7]  }
0x29: {  	s4 =	sld [smem:$0x3FA9]  }
0x2a: {  	p0 =	seq.s32 s5, $0x0;
	s5 =	sld [smem:$0x3FAA]  }
0x2b: {  	s6 =	sld [smem:$0x3FAB]  }
0x2c: {  	s7 =	sld [smem:$0x3FAC]  }
0x2d: {  	s3 =	simm.s32 $0x108;
	s8 =	sld [smem:$0x3FAD]  }
0x2e: {  	s3 =	simm.s32 @!p0 $0x1082;
	s9 =	sld [smem:$0x3FAE]  }
0x2f: {  	lr =	sadd.s32 s0, s3;
	s0 =	sld [smem:$0x3FA5]  }
0x30: {  	s3 =	sld [smem:$0x3FA8]  }
0x31: {  	[smem:$0x3FB1] =	sst s10  }
0x32: {  	s10 =	sld [smem:$0x3FAF];
	_ =	sdelay $0x3  }
0x33: {  	p0 =	seq.s32 s10, $0x1;
	s10 =	sld [smem:$0x3FB1];
	_ =	sdelay $0x3  }
0x34: {  	[smem:$0x3FB1] =	sst s10  }
0x35: {  	s10 =	sld [smem:$0x3FB0];
	_ =	sdelay $0x3  }
0x36: {  	p1 =	seq.s32 s10, $0x1;
	s10 =	sld [smem:$0x3FB1];
	_ =	sdelay $0x3  }
0x37: {  	[smem:$0x3FB1] =	sst s10  }
0x38: {  	s10 =	sld [smem:$0x3FB2]  }
0x39: {  	_ = 	snop;
	(pc) =	sbr.ind lr, $3  }
0x3a: {  	_ = 	snop  }
0x3b: {  	_ = 	snop  }
0x3c: {  	p2 =	seq.s32 s10, $0x1;
	s10 =	sld [smem:$0x3FB1]  }
0x3d: {  	_ =	shalt  }
0x3e: {  	_ =	shalt  }
0x3f: {  	_ =	shalt  }
0x40: {  	_ =	shalt  }
0x41: {  	_ =	shalt  }
0x42: {  	_ =	shalt  }
0x43: {  	_ =	shalt  }
0x44: {  	_ =	shalt  }
0x45: {  	_ =	shalt  }
0x46: {  	_ =	shalt  }
0x47: {  	_ =	shalt  }
0x48: {  	_ =	shalt  }
0x49: {  	_ =	shalt  }
0x4a: {  	_ =	shalt  }
0x4b: {  	_ =	shalt  }
0x4c: {  	_ =	shalt  }
0x4d: {  	_ =	shalt  }
0x4e: {  	_ =	shalt  }
0x4f: {  	_ =	shalt  }
0x50: {  	_ =	shalt  }
0x51: {  	_ =	shalt  }
0x52: {  	_ =	shalt  }
0x53: {  	_ =	shalt  }
0x54: {  	_ =	shalt  }
0x55: {  	_ =	shalt  }
0x56: {  	_ =	shalt  }
0x57: {  	_ =	shalt  }
0x58: {  	_ =	shalt  }
0x59: {  	_ =	shalt  }
0x5a: {  	_ =	shalt  }
0x5b: {  	_ =	shalt  }
0x5c: {  	_ =	shalt  }
0x5d: {  	_ =	shalt  }
0x5e: {  	_ =	shalt  }
0x5f: {  	_ =	shalt  }
0x60: {  	_ =	shalt  }
0x61: {  	_ =	shalt  }
0x62: {  	_ =	shalt  }
0x63: {  	_ =	shalt  }
0x64: {  	_ =	shalt  }
0x65: {  	_ =	shalt  }
0x66: {  	_ =	shalt  }
0x67: {  	_ =	shalt  }
0x68: {  	_ =	shalt  }
0x69: {  	_ =	shalt  }
0x6a: {  	_ =	shalt  }
0x6b: {  	_ =	shalt  }
0x6c: {  	_ =	shalt  }
0x6d: {  	_ =	shalt  }
0x6e: {  	_ =	shalt  }
0x6f: {  	_ =	shalt  }
0x70: {  	_ =	shalt  }
0x71: {  	_ =	shalt  }
0x72: {  	_ =	shalt  }
0x73: {  	_ =	shalt  }
0x74: {  	_ =	shalt  }
0x75: {  	_ =	shalt  }
0x76: {  	_ =	shalt  }
0x77: {  	_ =	shalt  }
0x78: {  	_ =	shalt  }
0x79: {  	_ =	shalt  }
0x7a: {  	_ =	shalt  }
0x7b: {  	_ =	shalt  }
0x7c: {  	_ =	shalt  }
0x7d: {  	_ =	shalt  }
0x7e: {  	_ =	shalt  }
0x7f: {  	_ =	shalt  }
0x80: {  	_ =	shalt  }
0x81: {  	_ =	shalt  }
0x82: {  	_ =	shalt  }
0x83: {  	_ =	shalt  }
0x84: {  	_ =	shalt  }
0x85: {  	_ =	shalt  }
0x86: {  	_ =	shalt  }
0x87: {  	_ =	shalt  }
.Lfunc_end0:
.L_simem_size_0:
called_computation.1_lowered:
.L_overlay_start_0:
0x88: {  	s2 =	sld [smem:$0x3FD9]  }
0x89: {  	s3 =	sld [smem:$0x3FFE];
	_ =	sdelay $0x1  }
0x8a: {  	s1 =	srdreg.scid  }
0x8b: {  	s0 =	sand.u32 $0x1, s1  }
0x8c: {  	s16 =	sshll.u32 s0, $0xA;
	s2 =	sadd.s32 s3, s2  }
0x8d: {  	s2 =	sadd.s32 s2, s16  }
0x8e: {  	[smem:$0x3FBD] =	sst s2  }
0x8f: {  	_ = 	snop  }
0x90: {  	(tm) =	ssettm $0x1  }
0x91: {  	s17 =	sld [smem:$0x3FFB];
	_ =	sdelay $0x3  }
0x92: {  	_ =	strace s17  }
0x93: {  	s2 =	sld [smem:$0x3FFC];
	_ =	sdelay $0x3  }
0x94: {  	_ =	strace s2  }
0x95: {  	s2 =	sld [smem:$0x3FFD];
	_ =	sdelay $0x3  }
0x96: {  	_ =	strace s2  }
0x97: {  	_ =	strace $0x8FFFFFFF  }
0x98: {  	s18 =	sld [smem:$0x3FDB];
	_ =	sdelay $0x1  }
0x99: {  	s19 =	simm.s32 $_scs_section_size  }
0x9a: {  	s4 =	simm.s32 $_size__tile_overlayer_lowered;
	s5 =	simm.s32 $_tile_overlayer_lowered  }
0x9b: {  	s22 =	simm.s32 $0x1BFF;
	s21 =	sshll.u32 s5, $0x1;
	s2 =	sadd.s32 s19, s18  }
0x9c: {  	s6 =	simm.s32 $0x0;
	s20 =	sshll.u32 s4, $0x1;
	s4 =	sadd.s32 s21, s2  }
0x9d: {  	[timem:s6], [sflag:s22] =	dma.local [hbm:s4], s20  }
0x9e: {  	_ =	swait.ge [sflag:s22], s20  }
0x9f: {  	s3 =	ssub.s32 $0x0, s20;
	[sflag:s22] =	ssyncset.done $0x0  }
0xa0: {  	[sflag:s22] =	ssyncadd.s32 s3;
	_ =	sdelay $0x1  }
0xa1: {  	s23 =	simm.s32 $0x1B8B  }
0xa2: {  	_ =	swait.ge [sflag:s23], $0x1  }
0xa3: {  	[sflag:s23] =	ssyncset.done $0x0  }
0xa4: {  	s25 =	simm.s32 $0x1B8E;
	s24 =	sld [smem:$0x3FFE];
	[sflag:s23] =	ssyncadd.s32 $0xFFFFFFFF  }
0xa5: {  	s26 =	simm.s32 $execute0_lowered;
	[smem:$0x3FD2] =	sst s25  }
0xa6: {  	s4 =	sshll.u32 s26, $0x1;
	_ =	strace $0x80000049;
	[dreg:$0x1] =	wrdreg $0xFFFFFFFF  }
0xa7: {  	s28 =	simm.s32 $_size_execute0_lowered;
	s2 =	sadd.s32 s2, s4;
	[dreg:$0x0] =	wrdreg $0x0  }
0xa8: {  	s4 =	sshll.u32 s28, $0x1;
	[dreg:$0x2] =	wrdreg s2  }
0xa9: {  	[dreg:$0x3] =	wrdreg s4  }
0xaa: {  	[dreg:$0x4] =	wrdreg $0xC0  }
0xab: {  	_ =	task [dreg:s6], $0x5FFFF  }
0xac: {  	[dreg:$0x1] =	wrdreg $0xFFFFFFFF  }
0xad: {  	[dreg:$0x0] =	wrdreg $0x60  }
0xae: {  	[dreg:$0x2] =	wrdreg s24  }
0xaf: {  	[dreg:$0x3] =	wrdreg $0x41000  }
0xb0: {  	[dreg:$0x4] =	wrdreg $0x9  }
0xb1: {  	_ =	task.clear_ibuf [dreg:s6], $0x5FFFF;
	_ =	strace $0x90000049  }
0xb2: {  	s29 =	simm.s32 $0x9;
	_ =	strace $0x8000004B  }
0xb3: {  	_ =	swait.ge [sflag:s29], $0x1  }
0xb4: {  	[sflag:s29] =	ssyncadd.s32 $0xFFFFFFFF  }
0xb5: {  	_ =	strace $0x9000004B  }
0xb6: {  	_ =	sfence  }
0xb7: {  	s30 =	sld [smem:$0x0];
	_ =	sdelay $0x2  }
0xb8: {  	s31 =	sshll.u32 s1, $0xD;
	s1 =	sshrl.u32 s1, $0x2  }
0xb9: {  	s3 =	sand.u32 $0x4000, s31;
	s1 =	sadd.s32 s1, s30  }
0xba: {  	s0 =	sor.u32 s3, s0;
	s1 =	sshll.u32 s1, $0x11  }
0xbb: {  	s0 =	sor.u32 s1, s0  }
0xbc: {  	s0 =	sadd.s32 $0x8F2B, s0  }
0xbd: {  	[sflag:s0] =	ssyncadd.remote.s32 $0x1  }
0xbe: {  	_ =	sfence.sel $0xFFFF  }
0xbf: {  	[dreg:$0x0] =	wrdreg $0xFFFFFFFF;
	(pc) =	sbr.abs _section_cstart, $3  }
0xc0: {  	[dreg:$0x1] =	wrdreg $0xFFFFFFFF  }
0xc1: {  	_ =	task.clear_ibuf [dreg:s6], $0x2FFFF;
	_ =	strace $0x9FFFFFFF  }
0xc2: {  	(tm) =	ssettm $0x7FFFFFFF  }
0xc3: {  	_ =	shalt  }
tec
execute0_lowered:
.L_overlay_start_1:
0x0: {  	(tag) =	ssettag $0x1  }
0x1: {  	s5 =	rddreg [dreg:$0x0]  }
0x2: {  	s2 =	rddreg [dreg:$0x1]  }
0x3: {  	s0 =	rddreg [dreg:$0x2]  }
0x4: {  	s4 =	srdreg.scid;
	s1 =	stileid.u32  }
0x5: {  	s3 =	simm.s32 $0x0;
	s6 =	sand.u32 $0x1, s4;
	s7 =	smul.u32 $0x14000, s1  }
0x6: {  	[smem:$0x7FF] =	sst s3;
	s4 =	sadd.s32 $0x3E400, s5;
	s26 =	smul.u32 $0x50000, s1  }
0x7: {  	s29 =	sshll.u32 s1, $0x6;
	s30 =	sshll.u32 s1, $0x4;
	s8 =	sshll.u32 s6, $0x8  }
0x8: {  	s9 =	smul.u32 $0x140000, s6;
	_ =	strace $0x8000004A;
	s11 =	ssub.s32 $0x2, s6  }
0x9: {  	s12 =	sshll.u32 s6, $0x4;
	s6 =	sor.u32 $0x1C02, s29;
	s8 =	sadd.s32 s8, s5  }
0xa: {  	s10 =	sshrl.u32 s7, $0x3;
	s28 =	sshrl.u32 s11, $0x1;
	s7 =	sadd.s32 s7, s9  }
0xb: {  	s10 =	sadd.s32 s10, s5;
	s9 =	sshrl.u32 s26, $0x2;
	s11 =	ssub.s32 s11, s28  }
0xc: {  	s31 =	sadd.s32 s30, s8;
	s7 =	sshrl.u32 s7, $0x3;
	s13 =	sadd.s32 s9, s2  }
0xd: {  	s8 =	smax.u32 s11, $0x1;
	s9 =	sadd.s32 $0xC600, s31;
	s11 =	sor.u32 s12, s1  }
0xe: {  	s7 =	sadd.s32 s7, s5;
	s5 =	sadd.s32 $0x16400, s10;
	s10 =	sadd.s32 $0x2800, s31  }
0xf: {  	s12 =	sshrl.u32 s13, $0x3;
	s13 =	simm.s32 $0x2;
	s7 =	sadd.s32 $0x65600, s7  }
.LBB2_1:
0x10: {  	[spmem:s12], [sflag:s6] =	dma.local [hbm:s5], $0x2800  }
0x11: {  	_ =	swait.ge [sflag:s13], $0x2800  }
0x12: {  	p0 =	sgt.u32 s11, $0x9C3;
	[sflag:s13] =	ssyncset.done $0x0  }
0x13: {  	s14 =	sadd.s32 @!p0 $0x0, s10;
	[sflag:s13] =	ssyncadd.s32 $0xFFFFD800  }
0x14: {  	s15 =	simm.s32 @!p0 $0x0;
	s16 =	simm.s32 @!p0 $0x3;
	[bflag:$0x0] =	sbarrier.arrive $0xFFFF  }
0x15: {  	[tilespmem:s15], [sflag:$0x3] =	stream.linear.gather @!p0 [hbm4b:s14+s15], $0x80, $0x38;
	[tilespmem:$0x18100] =	vst v63  }
0x16: {  	_ =	swait.ge @!p0 [sflag:s16], $0x80;
	p0 =	por p0, p0  }
0x17: {  	[sflag:s16] =	ssyncset.done @!p0 $0x0  }
0x18: {  	s14 =	sadd.s32 @!p0 $0x0, s9;
	s17 =	simm.s32 @!p0 $0x80;
	[sflag:s16] =	ssyncadd.s32 @!p0 $0xFFFFFF80  }
0x19: {  	[tilespmem:s17], [sflag:$0x3] =	stream.linear.gather @!p0 [hbm4b:s14+s15], $0x80, $0x38;
	[tilespmem:$0x18100] =	vst v63  }
0x1a: {  	_ =	swait.ge @!p0 [sflag:s16], $0x80  }
0x1b: {  	[sflag:s16] =	ssyncset.done @!p0 $0x0  }
0x1c: {  	s14 =	simm.s32 @!p0 $0x100;
	[sflag:s16] =	ssyncadd.s32 @!p0 $0xFFFFFF80;
	s16 =	simm.s32 @!p0 $0x1  }
0x1d: {  	[tilespmem:s14], [sflag:$0x1] =	stream.indirect.gather @!p0 [hbm4b:s4+s17], $0x80, s15, s17, $0xb8;
	[tilespmem:$0x18100] =	vst v63  }
0x1e: {  	_ =	swait.ge @!p0 [sflag:s16], $0x4000  }
0x1f: {  	[sflag:s16] =	ssyncset.done @!p0 $0x0  }
0x20: {  	s15 =	sadd.s32 $0x20, s11;
	[sflag:s16] =	ssyncadd.s32 @!p0 $0xFFFFC000  }
0x21: {  	[spmem:s2] =	stream.indirect.scatter.add.f32 @!p0 [tilespmem:s14], [sflag:$0x2], $0x80, s17, s17, $0xb8;
	[tilespmem:$0x18100] =	vst v63  }
0x22: {  	p2 =	sgt.u32 s15, $0x9C3;
	s17 =	simm.s32 @!p0 $0x2  }
0x23: {  	s16 =	simm.s32 $0x400;
	s14 =	simm.s32 $0x200;
	_ =	swait.ge @!p0 [sflag:s17], $0x4000  }
.LBB2_2:
0x24: {  	s18 =	sadd.s32 @!p2 s14, s10  }
0x25: {  	s19 =	simm.s32 @!p2 $0x0;
	[sflag:s17] =	ssyncset.done @!p0 $0x0;
	s20 =	smov.u32 s16  }
0x26: {  	s16 =	sadd.s32 $0x200, s16;
	s21 =	simm.s32 @!p2 $0x3;
	[sflag:s17] =	ssyncadd.s32 @!p0 $0xFFFFC000  }
0x27: {  	[tilespmem:s19], [sflag:$0x3] =	stream.linear.gather @!p2 [hbm4b:s18+s19], $0x80, $0x38;
	[tilespmem:$0x18100] =	vst v63  }
0x28: {  	p1 =	sne.s32 s16, $0x9E00;
	p0 =	por p2, p2;
	_ =	swait.ge @!p2 [sflag:s21], $0x80  }
0x29: {  	[sflag:s21] =	ssyncset.done @!p0 $0x0  }
0x2a: {  	s14 =	sadd.s32 @!p0 s14, s9;
	s18 =	simm.s32 @!p0 $0x80;
	[sflag:s21] =	ssyncadd.s32 @!p0 $0xFFFFFF80  }
0x2b: {  	[tilespmem:s18], [sflag:$0x3] =	stream.linear.gather @!p0 [hbm4b:s14+s19], $0x80, $0x38;
	[tilespmem:$0x18100] =	vst v63  }
0x2c: {  	s14 =	smov.u32 s20;
	_ =	swait.ge @!p0 [sflag:s21], $0x80  }
0x2d: {  	[sflag:s21] =	ssyncset.done @!p0 $0x0  }
0x2e: {  	s17 =	simm.s32 @!p0 $0x1;
	s20 =	simm.s32 @!p0 $0x100;
	[sflag:s21] =	ssyncadd.s32 @!p0 $0xFFFFFF80  }
0x2f: {  	[tilespmem:s20], [sflag:$0x1] =	stream.indirect.gather @!p0 [hbm4b:s4+s18], $0x80, s19, s18, $0xb8;
	[tilespmem:$0x18100] =	vst v63  }
.Ltmp0:
0x30: {  	_ =	swait.ge @!p0 [sflag:s17], $0x4000;
	(pc) =	sbr.rel @p1 .LBB2_2-.Ltmp0, $4  }
0x31: {  	[sflag:s17] =	ssyncset.done @!p0 $0x0  }
0x32: {  	s15 =	sadd.s32 $0x20, s15;
	[sflag:s17] =	ssyncadd.s32 @!p0 $0xFFFFC000;
	s17 =	simm.s32 @!p0 $0x2  }
0x33: {  	[spmem:s2] =	stream.indirect.scatter.add.f32 @!p0 [tilespmem:s20], [sflag:$0x2], $0x80, s18, s18, $0xb8;
	[tilespmem:$0x18100] =	vst v63  }
0x34: {  	p2 =	sgt.u32 s15, $0x9C3;
	_ =	swait.ge @!p0 [sflag:s17], $0x4000  }
0x35: {  	s15 =	sadd.s32 @!p2 s14, s10;
	[sflag:s17] =	ssyncset.done @!p0 $0x0  }
0x36: {  	s16 =	simm.s32 @!p2 $0x0;
	s18 =	simm.s32 @!p2 $0x3;
	[sflag:s17] =	ssyncadd.s32 @!p0 $0xFFFFC000  }
0x37: {  	[tilespmem:s16], [sflag:$0x3] =	stream.linear.gather @!p2 [hbm4b:s15+s16], $0x80, $0x38;
	[tilespmem:$0x18100] =	vst v63  }
0x38: {  	p0 =	por p2, p2;
	_ =	swait.ge @!p2 [sflag:s18], $0x80  }
0x39: {  	[sflag:s18] =	ssyncset.done @!p0 $0x0  }
0x3a: {  	s14 =	sadd.s32 @!p0 s14, s9;
	s15 =	simm.s32 @!p0 $0x80;
	[sflag:s18] =	ssyncadd.s32 @!p0 $0xFFFFFF80  }
0x3b: {  	[tilespmem:s15], [sflag:$0x3] =	stream.linear.gather @!p0 [hbm4b:s14+s16], $0x80, $0x38;
	[tilespmem:$0x18100] =	vst v63  }
0x3c: {  	_ =	swait.ge @!p0 [sflag:s18], $0x80  }
0x3d: {  	[sflag:s18] =	ssyncset.done @!p0 $0x0  }
0x3e: {  	s17 =	simm.s32 @!p0 $0x1;
	s14 =	simm.s32 @!p0 $0x100;
	[sflag:s18] =	ssyncadd.s32 @!p0 $0xFFFFFF80  }
0x3f: {  	[tilespmem:s14], [sflag:$0x1] =	stream.indirect.gather @!p0 [hbm4b:s4+s15], $0x80, s16, s15, $0xb8;
	[tilespmem:$0x18100] =	vst v63  }
0x40: {  	_ =	swait.ge @!p0 [sflag:s17], $0x4000  }
0x41: {  	[sflag:s17] =	ssyncset.done @!p0 $0x0  }
0x42: {  	s16 =	simm.s32 @!p0 $0x2;
	[sflag:s17] =	ssyncadd.s32 @!p0 $0xFFFFC000  }
0x43: {  	[spmem:s2] =	stream.indirect.scatter.add.f32 @!p0 [tilespmem:s14], [sflag:$0x2], $0x80, s15, s15, $0xb8;
	[tilespmem:$0x18100] =	vst v63  }
0x44: {  	_ =	swait.ge @!p0 [sflag:s16], $0x4000  }
0x45: {  	s3 =	sadd.s32 $0x1, s3;
	[sflag:s16] =	ssyncset.done @!p0 $0x0  }
0x46: {  	[sflag:s16] =	ssyncadd.s32 @!p0 $0xFFFFC000;
	p0 =	sne.s32 s3, s8  }
.Ltmp1:
0x47: {  	[bflag:$0x0] =	sbarrier.arrive $0xFFFF;
	(pc) =	sbr.rel @p0 .LBB2_1-.Ltmp1, $4  }
0x48: {  	[hbm:s7], [sflag:s6] =	dma.local [spmem:s12], $0x2800  }
0x49: {  	_ =	swait.ge [sflag:s13], $0x2800  }
0x4a: {  	[sflag:s13] =	ssyncset.done $0x0  }
0x4b: {  	[sflag:s13] =	ssyncadd.s32 $0xFFFFD800  }
0x4c: {  	_ =	sfence.sel $0x180000  }
0x4d: {  	[bflag:$0x0] =	sbarrier.arrive $0xFFFF  }
0x4e: {  	p0 =	sne.s32 s1, $0x0;
	_ =	strace $0x9000004A  }
0x4f: {  	s0 =	sadd.s32 @!p0 $0x100000, s0;
	[bflag:$0x2] =	sbarrier.arrive $0xFFFF  }
0x50: {  	[sflag:s0] =	ssyncadd.tile.s32 @!p0 $0x1;
	_ =	shalt  }
.Lfunc_end2:
_tile_overlayer_lowered:
.L_overlay_start_2:
0x51: {  	(tag) =	ssettag $0x2  }
0x52: {  	s0 =	rddreg [dreg:$0x0];
	s2 =	stileid.u32  }
0x53: {  	s1 =	rddreg [dreg:$0x1];
	p0 =	sne.s32 s2, $0x0  }
0x54: {  	s3 =	rddreg [dreg:$0x2];
	[bflag:$0x3] =	sbarrier.arrive $0xFFFF;
	s2 =	simm.s32 @!p0 $0x1C02  }
0x55: {  	[timem:s3], [sflag:s2] =	dma.local @!p0 [hbm:s0], s1  }
0x56: {  	s0 =	simm.s32 @!p0 $0x2  }
0x57: {  	_ =	swait.ge @!p0 [sflag:s0], s1  }
0x58: {  	s1 =	ssub.s32 @!p0 $0x0, s1;
	[sflag:s0] =	ssyncset.done @!p0 $0x0  }
0x59: {  	[sflag:s0] =	ssyncadd.s32 @!p0 s1  }
0x5a: {  	[bflag:$0x3] =	sbarrier.arrive $0xFFFF  }
0x5b: {  	_ =	shalt  }

// kernel: kernel.14.cloned.1.call-start
scs
__scs_entry_jumppad:
0x0: {  	(pc) =	sbr.rel $0x88, $3  }
0x1: {  	(tag) =	ssettag $0x0;
	lr =	simm.s32 $0x1  }
0x2: {  	[smem:$0x3F96] =	sst lr;
	_ =	strace $0xD0000000  }
0x3: {  	_ = 	snop  }
0x4: {  	_ = 	snop  }
0x5: {  	_ = 	snop  }
0x6: {  	_ = 	snop  }
0x7: {  	_ = 	snop  }
__scs_overlays_trampoline_lowered:
0x8: {  	[smem:$0x3FA5] =	sst s0  }
0x9: {  	[smem:$0x3FA6] =	sst s1  }
0xa: {  	[smem:$0x3FA7] =	sst s2  }
0xb: {  	[smem:$0x3FA8] =	sst s3  }
0xc: {  	[smem:$0x3FA9] =	sst s4  }
0xd: {  	[smem:$0x3FAA] =	sst s5  }
0xe: {  	[smem:$0x3FAB] =	sst s6  }
0xf: {  	[smem:$0x3FAC] =	sst s7  }
0x10: {  	[smem:$0x3FAD] =	sst s8  }
0x11: {  	[smem:$0x3FAE] =	sst s9;
	s0 =	simm.s32 @!p0 $0x0  }
0x12: {  	s1 =	sld [smem:$0x3F94];
	s0 =	simm.s32 @p0 $0x1  }
0x13: {  	[smem:$0x3FAF] =	sst s0;
	s0 =	simm.s32 @!p1 $0x0  }
0x14: {  	s2 =	sld [smem:$0x3F93];
	s0 =	simm.s32 @p1 $0x1  }
0x15: {  	[smem:$0x3FB0] =	sst s0;
	s0 =	simm.s32 @!p2 $0x0  }
0x16: {  	s3 =	sld [smem:$0x3FDB];
	s0 =	simm.s32 @p2 $0x1  }
0x17: {  	s4 =	simm.s32 $0x1BF5;
	[smem:$0x3FB2] =	sst s0  }
0x18: {  	s0 =	sld [smem:$0x3F95];
	_ =	swait.ge [sflag:s4], $0x0  }
0x19: {  	s7 =	sld [smem:$0x3F96]  }
0x1a: {  	s8 =	sadd.s32 $0xFFFFE003, lr  }
0x1b: {  	s9 =	sadd.s32 $0xFFFFFEF7, lr;
	s5 =	simm.s32 $0xFFFFFFFF;
	p2 =	slt.u32 s8, $0xFFFFF086  }
0x1c: {  	p1 =	slt.u32 s9, $0xF7A;
	s5 =	simm.s32 @!p2 $0x0  }
0x1d: {  	s5 =	simm.s32 @p1 $0x1;
	p0 =	seq.s32 s7, s2  }
0x1e: {  	s7 =	smul.u32 @!p0 $0xF7A, s2;
	p2 =	seq.s32 @!p0 s5, $0x0  }
0x1f: {  	s9 =	smul.u32 $0xF7A, s1;
	s8 =	simm.s32 @!p0 $0x1BF5;
	p2 =	por !p2, p0  }
0x20: {  	[sflag:s8] =	ssyncset.s32 @!p0 $0xFFFFF086;
	s6 =	sadd.s32 @!p0 s3, s7;
	s7 =	simm.s32 @!p0 $0x108  }
0x21: {  	s3 =	sadd.s32 s3, s9;
	s6 =	sadd.s32 @!p0 $0x88, s6;
	s7 =	simm.s32 @p2 $0x1082  }
0x22: {  	[simem:s7], [sflag:s8] =	dma.local @!p0 [hbm:s6], $0xF7A  }
0x23: {  	s9 =	sor.u32 $0xD0000000, s2;
	s6 =	simm.s32 $0x108;
	_ =	swait.ge @!p0 [sflag:s8], $0x0  }
0x24: {  	s3 =	sadd.s32 $0x88, s3;
	s6 =	simm.s32 @!p1 $0x1082;
	[sflag:s4] =	ssyncset.s32 $0xFFFFF086  }
0x25: {  	[simem:s6], [sflag:s4] =	dma.local [hbm:s3], $0xF7A  }
0x26: {  	[smem:$0x3F96] =	sst s1;
	(tag) =	ssettag s2;
	_ =	strace s9  }
0x27: {  	s1 =	sld [smem:$0x3FA6]  }
0x28: {  	s2 =	sld [smem:$0x3FA7]  }
0x29: {  	s4 =	sld [smem:$0x3FA9]  }
0x2a: {  	p0 =	seq.s32 s5, $0x0;
	s5 =	sld [smem:$0x3FAA]  }
0x2b: {  	s6 =	sld [smem:$0x3FAB]  }
0x2c: {  	s7 =	sld [smem:$0x3FAC]  }
0x2d: {  	s3 =	simm.s32 $0x108;
	s8 =	sld [smem:$0x3FAD]  }
0x2e: {  	s3 =	simm.s32 @!p0 $0x1082;
	s9 =	sld [smem:$0x3FAE]  }
0x2f: {  	lr =	sadd.s32 s0, s3;
	s0 =	sld [smem:$0x3FA5]  }
0x30: {  	s3 =	sld [smem:$0x3FA8]  }
0x31: {  	[smem:$0x3FB1] =	sst s10  }
0x32: {  	s10 =	sld [smem:$0x3FAF];
	_ =	sdelay $0x3  }
0x33: {  	p0 =	seq.s32 s10, $0x1;
	s10 =	sld [smem:$0x3FB1];
	_ =	sdelay $0x3  }
0x34: {  	[smem:$0x3FB1] =	sst s10  }
0x35: {  	s10 =	sld [smem:$0x3FB0];
	_ =	sdelay $0x3  }
0x36: {  	p1 =	seq.s32 s10, $0x1;
	s10 =	sld [smem:$0x3FB1];
	_ =	sdelay $0x3  }
0x37: {  	[smem:$0x3FB1] =	sst s10  }
0x38: {  	s10 =	sld [smem:$0x3FB2]  }
0x39: {  	_ = 	snop;
	(pc) =	sbr.ind lr, $3  }
0x3a: {  	_ = 	snop  }
0x3b: {  	_ = 	snop  }
0x3c: {  	p2 =	seq.s32 s10, $0x1;
	s10 =	sld [smem:$0x3FB1]  }
0x3d: {  	_ =	shalt  }
0x3e: {  	_ =	shalt  }
0x3f: {  	_ =	shalt  }
0x40: {  	_ =	shalt  }
0x41: {  	_ =	shalt  }
0x42: {  	_ =	shalt  }
0x43: {  	_ =	shalt  }
0x44: {  	_ =	shalt  }
0x45: {  	_ =	shalt  }
0x46: {  	_ =	shalt  }
0x47: {  	_ =	shalt  }
0x48: {  	_ =	shalt  }
0x49: {  	_ =	shalt  }
0x4a: {  	_ =	shalt  }
0x4b: {  	_ =	shalt  }
0x4c: {  	_ =	shalt  }
0x4d: {  	_ =	shalt  }
0x4e: {  	_ =	shalt  }
0x4f: {  	_ =	shalt  }
0x50: {  	_ =	shalt  }
0x51: {  	_ =	shalt  }
0x52: {  	_ =	shalt  }
0x53: {  	_ =	shalt  }
0x54: {  	_ =	shalt  }
0x55: {  	_ =	shalt  }
0x56: {  	_ =	shalt  }
0x57: {  	_ =	shalt  }
0x58: {  	_ =	shalt  }
0x59: {  	_ =	shalt  }
0x5a: {  	_ =	shalt  }
0x5b: {  	_ =	shalt  }
0x5c: {  	_ =	shalt  }
0x5d: {  	_ =	shalt  }
0x5e: {  	_ =	shalt  }
0x5f: {  	_ =	shalt  }
0x60: {  	_ =	shalt  }
0x61: {  	_ =	shalt  }
0x62: {  	_ =	shalt  }
0x63: {  	_ =	shalt  }
0x64: {  	_ =	shalt  }
0x65: {  	_ =	shalt  }
0x66: {  	_ =	shalt  }
0x67: {  	_ =	shalt  }
0x68: {  	_ =	shalt  }
0x69: {  	_ =	shalt  }
0x6a: {  	_ =	shalt  }
0x6b: {  	_ =	shalt  }
0x6c: {  	_ =	shalt  }
0x6d: {  	_ =	shalt  }
0x6e: {  	_ =	shalt  }
0x6f: {  	_ =	shalt  }
0x70: {  	_ =	shalt  }
0x71: {  	_ =	shalt  }
0x72: {  	_ =	shalt  }
0x73: {  	_ =	shalt  }
0x74: {  	_ =	shalt  }
0x75: {  	_ =	shalt  }
0x76: {  	_ =	shalt  }
0x77: {  	_ =	shalt  }
0x78: {  	_ =	shalt  }
0x79: {  	_ =	shalt  }
0x7a: {  	_ =	shalt  }
0x7b: {  	_ =	shalt  }
0x7c: {  	_ =	shalt  }
0x7d: {  	_ =	shalt  }
0x7e: {  	_ =	shalt  }
0x7f: {  	_ =	shalt  }
0x80: {  	_ =	shalt  }
0x81: {  	_ =	shalt  }
0x82: {  	_ =	shalt  }
0x83: {  	_ =	shalt  }
0x84: {  	_ =	shalt  }
0x85: {  	_ =	shalt  }
0x86: {  	_ =	shalt  }
0x87: {  	_ =	shalt  }
.Lfunc_end0:
.L_simem_size_0:
called_computation.2_lowered:
.L_overlay_start_0:
0x88: {  	s2 =	sld [smem:$0x3FD9]  }
0x89: {  	s3 =	sld [smem:$0x3FFE];
	_ =	sdelay $0x1  }
0x8a: {  	s1 =	srdreg.scid  }
0x8b: {  	s0 =	sand.u32 $0x1, s1  }
0x8c: {  	s16 =	sshll.u32 s0, $0xA;
	s2 =	sadd.s32 s3, s2  }
0x8d: {  	s2 =	sadd.s32 s2, s16  }
0x8e: {  	[smem:$0x3FBD] =	sst s2  }
0x8f: {  	_ = 	snop  }
0x90: {  	(tm) =	ssettm $0x1  }
0x91: {  	s17 =	sld [smem:$0x3FFB];
	_ =	sdelay $0x3  }
0x92: {  	_ =	strace s17  }
0x93: {  	s2 =	sld [smem:$0x3FFC];
	_ =	sdelay $0x3  }
0x94: {  	_ =	strace s2  }
0x95: {  	s2 =	sld [smem:$0x3FFD];
	_ =	sdelay $0x3  }
0x96: {  	_ =	strace s2  }
0x97: {  	_ =	strace $0x8FFFFFFF  }
0x98: {  	s18 =	sld [smem:$0x3FDB];
	_ =	sdelay $0x1  }
0x99: {  	s19 =	simm.s32 $_scs_section_size  }
0x9a: {  	s4 =	simm.s32 $_size__tile_overlayer_lowered;
	s5 =	simm.s32 $_tile_overlayer_lowered  }
0x9b: {  	s22 =	simm.s32 $0x1BFF;
	s21 =	sshll.u32 s5, $0x1;
	s2 =	sadd.s32 s19, s18  }
0x9c: {  	s6 =	simm.s32 $0x0;
	s20 =	sshll.u32 s4, $0x1;
	s4 =	sadd.s32 s21, s2  }
0x9d: {  	[timem:s6], [sflag:s22] =	dma.local [hbm:s4], s20  }
0x9e: {  	_ =	swait.ge [sflag:s22], s20  }
0x9f: {  	s3 =	ssub.s32 $0x0, s20;
	[sflag:s22] =	ssyncset.done $0x0  }
0xa0: {  	[sflag:s22] =	ssyncadd.s32 s3;
	_ =	sdelay $0x1  }
0xa1: {  	s23 =	simm.s32 $0x1B8B  }
0xa2: {  	_ =	swait.ge [sflag:s23], $0x1  }
0xa3: {  	[sflag:s23] =	ssyncset.done $0x0  }
0xa4: {  	s25 =	simm.s32 $0x1B8E;
	s24 =	sld [smem:$0x3FFE];
	[sflag:s23] =	ssyncadd.s32 $0xFFFFFFFF  }
0xa5: {  	s26 =	simm.s32 $execute0_lowered;
	[smem:$0x3FD2] =	sst s25  }
0xa6: {  	s4 =	sshll.u32 s26, $0x1;
	_ =	strace $0x8000004C;
	[dreg:$0x1] =	wrdreg $0xFFFFFFFF  }
0xa7: {  	s28 =	simm.s32 $_size_execute0_lowered;
	s2 =	sadd.s32 s2, s4;
	[dreg:$0x0] =	wrdreg $0x0  }
0xa8: {  	s4 =	sshll.u32 s28, $0x1;
	[dreg:$0x2] =	wrdreg s2  }
0xa9: {  	[dreg:$0x3] =	wrdreg s4  }
0xaa: {  	[dreg:$0x4] =	wrdreg $0xC0  }
0xab: {  	_ =	task [dreg:s6], $0x5FFFF  }
0xac: {  	[dreg:$0x1] =	wrdreg $0xFFFFFFFF  }
0xad: {  	[dreg:$0x0] =	wrdreg $0x60  }
0xae: {  	[dreg:$0x2] =	wrdreg s24  }
0xaf: {  	[dreg:$0x3] =	wrdreg $0x41000  }
0xb0: {  	[dreg:$0x4] =	wrdreg $0x9  }
0xb1: {  	_ =	task.clear_ibuf [dreg:s6], $0x5FFFF;
	_ =	strace $0x9000004C  }
0xb2: {  	s29 =	simm.s32 $0x9;
	_ =	strace $0x8000004E  }
0xb3: {  	_ =	swait.ge [sflag:s29], $0x1  }
0xb4: {  	[sflag:s29] =	ssyncadd.s32 $0xFFFFFFFF  }
0xb5: {  	_ =	strace $0x9000004E  }
0xb6: {  	_ =	sfence  }
0xb7: {  	s30 =	sld [smem:$0x0];
	_ =	sdelay $0x2  }
0xb8: {  	s31 =	sshll.u32 s1, $0xD;
	s1 =	sshrl.u32 s1, $0x2  }
0xb9: {  	s3 =	sand.u32 $0x4000, s31;
	s1 =	sadd.s32 s1, s30  }
0xba: {  	s0 =	sor.u32 s3, s0;
	s1 =	sshll.u32 s1, $0x11  }
0xbb: {  	s0 =	sor.u32 s1, s0  }
0xbc: {  	s0 =	sadd.s32 $0x8F2B, s0  }
0xbd: {  	[sflag:s0] =	ssyncadd.remote.s32 $0x1  }
0xbe: {  	_ =	sfence.sel $0xFFFF  }
0xbf: {  	[dreg:$0x0] =	wrdreg $0xFFFFFFFF;
	(pc) =	sbr.abs _section_cstart, $3  }
0xc0: {  	[dreg:$0x1] =	wrdreg $0xFFFFFFFF  }
0xc1: {  	_ =	task.clear_ibuf [dreg:s6], $0x2FFFF;
	_ =	strace $0x9FFFFFFF  }
0xc2: {  	(tm) =	ssettm $0x7FFFFFFF  }
0xc3: {  	_ =	shalt  }
tec
execute0_lowered:
.L_overlay_start_1:
0x0: {  	(tag) =	ssettag $0x1  }
0x1: {  	s5 =	rddreg [dreg:$0x0]  }
0x2: {  	s2 =	rddreg [dreg:$0x1]  }
0x3: {  	s0 =	rddreg [dreg:$0x2]  }
0x4: {  	s4 =	srdreg.scid;
	s1 =	stileid.u32  }
0x5: {  	s3 =	simm.s32 $0x0;
	s6 =	sand.u32 $0x1, s4;
	s7 =	smul.u32 $0x14000, s1  }
0x6: {  	[smem:$0x7FF] =	sst s3;
	s4 =	sadd.s32 $0x3E400, s5;
	s26 =	smul.u32 $0x50000, s1  }
0x7: {  	s29 =	sshll.u32 s1, $0x6;
	s30 =	sshll.u32 s1, $0x4;
	s8 =	sshll.u32 s6, $0x8  }
0x8: {  	s9 =	smul.u32 $0x140000, s6;
	_ =	strace $0x8000004D;
	s11 =	ssub.s32 $0x2, s6  }
0x9: {  	s12 =	sshll.u32 s6, $0x4;
	s6 =	sor.u32 $0x1C02, s29;
	s8 =	sadd.s32 s8, s5  }
0xa: {  	s10 =	sshrl.u32 s7, $0x3;
	s28 =	sshrl.u32 s11, $0x1;
	s7 =	sadd.s32 s7, s9  }
0xb: {  	s10 =	sadd.s32 s10, s5;
	s9 =	sshrl.u32 s26, $0x2;
	s11 =	ssub.s32 s11, s28  }
0xc: {  	s31 =	sadd.s32 s30, s8;
	s7 =	sshrl.u32 s7, $0x3;
	s13 =	sadd.s32 s9, s2  }
0xd: {  	s8 =	smax.u32 s11, $0x1;
	s9 =	sadd.s32 $0xC600, s31;
	s11 =	sor.u32 s12, s1  }
0xe: {  	s7 =	sadd.s32 s7, s5;
	s5 =	sadd.s32 $0x16400, s10;
	s10 =	sadd.s32 $0x2800, s31  }
0xf: {  	s12 =	sshrl.u32 s13, $0x3;
	s13 =	simm.s32 $0x2;
	s7 =	sadd.s32 $0x65600, s7  }
.LBB2_1:
0x10: {  	[spmem:s12], [sflag:s6] =	dma.local [hbm:s5], $0x2800  }
0x11: {  	_ =	swait.ge [sflag:s13], $0x2800  }
0x12: {  	p0 =	sgt.u32 s11, $0x9C3;
	[sflag:s13] =	ssyncset.done $0x0  }
0x13: {  	s14 =	sadd.s32 @!p0 $0x0, s10;
	[sflag:s13] =	ssyncadd.s32 $0xFFFFD800  }
0x14: {  	s15 =	simm.s32 @!p0 $0x0;
	s16 =	simm.s32 @!p0 $0x3;
	[bflag:$0x0] =	sbarrier.arrive $0xFFFF  }
0x15: {  	[tilespmem:s15], [sflag:$0x3] =	stream.linear.gather @!p0 [hbm4b:s14+s15], $0x80, $0x38;
	[tilespmem:$0x18100] =	vst v63  }
0x16: {  	_ =	swait.ge @!p0 [sflag:s16], $0x80;
	p0 =	por p0, p0  }
0x17: {  	[sflag:s16] =	ssyncset.done @!p0 $0x0  }
0x18: {  	s14 =	sadd.s32 @!p0 $0x0, s9;
	s17 =	simm.s32 @!p0 $0x80;
	[sflag:s16] =	ssyncadd.s32 @!p0 $0xFFFFFF80  }
0x19: {  	[tilespmem:s17], [sflag:$0x3] =	stream.linear.gather @!p0 [hbm4b:s14+s15], $0x80, $0x38;
	[tilespmem:$0x18100] =	vst v63  }
0x1a: {  	_ =	swait.ge @!p0 [sflag:s16], $0x80  }
0x1b: {  	[sflag:s16] =	ssyncset.done @!p0 $0x0  }
0x1c: {  	s14 =	simm.s32 @!p0 $0x100;
	[sflag:s16] =	ssyncadd.s32 @!p0 $0xFFFFFF80;
	s16 =	simm.s32 @!p0 $0x1  }
0x1d: {  	[tilespmem:s14], [sflag:$0x1] =	stream.indirect.gather @!p0 [hbm4b:s4+s17], $0x80, s15, s17, $0xb8;
	[tilespmem:$0x18100] =	vst v63  }
0x1e: {  	_ =	swait.ge @!p0 [sflag:s16], $0x4000  }
0x1f: {  	[sflag:s16] =	ssyncset.done @!p0 $0x0  }
0x20: {  	s15 =	sadd.s32 $0x20, s11;
	[sflag:s16] =	ssyncadd.s32 @!p0 $0xFFFFC000  }
0x21: {  	[spmem:s2] =	stream.indirect.scatter.add.f32 @!p0 [tilespmem:s14], [sflag:$0x2], $0x80, s17, s17, $0xb8;
	[tilespmem:$0x18100] =	vst v63  }
0x22: {  	p2 =	sgt.u32 s15, $0x9C3;
	s17 =	simm.s32 @!p0 $0x2  }
0x23: {  	s16 =	simm.s32 $0x400;
	s14 =	simm.s32 $0x200;
	_ =	swait.ge @!p0 [sflag:s17], $0x4000  }
.LBB2_2:
0x24: {  	s18 =	sadd.s32 @!p2 s14, s10  }
0x25: {  	s19 =	simm.s32 @!p2 $0x0;
	[sflag:s17] =	ssyncset.done @!p0 $0x0;
	s20 =	smov.u32 s16  }
0x26: {  	s16 =	sadd.s32 $0x200, s16;
	s21 =	simm.s32 @!p2 $0x3;
	[sflag:s17] =	ssyncadd.s32 @!p0 $0xFFFFC000  }
0x27: {  	[tilespmem:s19], [sflag:$0x3] =	stream.linear.gather @!p2 [hbm4b:s18+s19], $0x80, $0x38;
	[tilespmem:$0x18100] =	vst v63  }
0x28: {  	p1 =	sne.s32 s16, $0x9E00;
	p0 =	por p2, p2;
	_ =	swait.ge @!p2 [sflag:s21], $0x80  }
0x29: {  	[sflag:s21] =	ssyncset.done @!p0 $0x0  }
0x2a: {  	s14 =	sadd.s32 @!p0 s14, s9;
	s18 =	simm.s32 @!p0 $0x80;
	[sflag:s21] =	ssyncadd.s32 @!p0 $0xFFFFFF80  }
0x2b: {  	[tilespmem:s18], [sflag:$0x3] =	stream.linear.gather @!p0 [hbm4b:s14+s19], $0x80, $0x38;
	[tilespmem:$0x18100] =	vst v63  }
0x2c: {  	s14 =	smov.u32 s20;
	_ =	swait.ge @!p0 [sflag:s21], $0x80  }
0x2d: {  	[sflag:s21] =	ssyncset.done @!p0 $0x0  }
0x2e: {  	s17 =	simm.s32 @!p0 $0x1;
	s20 =	simm.s32 @!p0 $0x100;
	[sflag:s21] =	ssyncadd.s32 @!p0 $0xFFFFFF80  }
0x2f: {  	[tilespmem:s20], [sflag:$0x1] =	stream.indirect.gather @!p0 [hbm4b:s4+s18], $0x80, s19, s18, $0xb8;
	[tilespmem:$0x18100] =	vst v63  }
.Ltmp0:
0x30: {  	_ =	swait.ge @!p0 [sflag:s17], $0x4000;
	(pc) =	sbr.rel @p1 .LBB2_2-.Ltmp0, $4  }
0x31: {  	[sflag:s17] =	ssyncset.done @!p0 $0x0  }
0x32: {  	s15 =	sadd.s32 $0x20, s15;
	[sflag:s17] =	ssyncadd.s32 @!p0 $0xFFFFC000;
	s17 =	simm.s32 @!p0 $0x2  }
0x33: {  	[spmem:s2] =	stream.indirect.scatter.add.f32 @!p0 [tilespmem:s20], [sflag:$0x2], $0x80, s18, s18, $0xb8;
	[tilespmem:$0x18100] =	vst v63  }
0x34: {  	p2 =	sgt.u32 s15, $0x9C3;
	_ =	swait.ge @!p0 [sflag:s17], $0x4000  }
0x35: {  	s15 =	sadd.s32 @!p2 s14, s10;
	[sflag:s17] =	ssyncset.done @!p0 $0x0  }
0x36: {  	s16 =	simm.s32 @!p2 $0x0;
	s18 =	simm.s32 @!p2 $0x3;
	[sflag:s17] =	ssyncadd.s32 @!p0 $0xFFFFC000  }
0x37: {  	[tilespmem:s16], [sflag:$0x3] =	stream.linear.gather @!p2 [hbm4b:s15+s16], $0x80, $0x38;
	[tilespmem:$0x18100] =	vst v63  }
0x38: {  	p0 =	por p2, p2;
	_ =	swait.ge @!p2 [sflag:s18], $0x80  }
0x39: {  	[sflag:s18] =	ssyncset.done @!p0 $0x0  }
0x3a: {  	s14 =	sadd.s32 @!p0 s14, s9;
	s15 =	simm.s32 @!p0 $0x80;
	[sflag:s18] =	ssyncadd.s32 @!p0 $0xFFFFFF80  }
0x3b: {  	[tilespmem:s15], [sflag:$0x3] =	stream.linear.gather @!p0 [hbm4b:s14+s16], $0x80, $0x38;
	[tilespmem:$0x18100] =	vst v63  }
0x3c: {  	_ =	swait.ge @!p0 [sflag:s18], $0x80  }
0x3d: {  	[sflag:s18] =	ssyncset.done @!p0 $0x0  }
0x3e: {  	s17 =	simm.s32 @!p0 $0x1;
	s14 =	simm.s32 @!p0 $0x100;
	[sflag:s18] =	ssyncadd.s32 @!p0 $0xFFFFFF80  }
0x3f: {  	[tilespmem:s14], [sflag:$0x1] =	stream.indirect.gather @!p0 [hbm4b:s4+s15], $0x80, s16, s15, $0xb8;
	[tilespmem:$0x18100] =	vst v63  }
0x40: {  	_ =	swait.ge @!p0 [sflag:s17], $0x4000  }
0x41: {  	[sflag:s17] =	ssyncset.done @!p0 $0x0  }
0x42: {  	s16 =	simm.s32 @!p0 $0x2;
	[sflag:s17] =	ssyncadd.s32 @!p0 $0xFFFFC000  }
0x43: {  	[spmem:s2] =	stream.indirect.scatter.add.f32 @!p0 [tilespmem:s14], [sflag:$0x2], $0x80, s15, s15, $0xb8;
	[tilespmem:$0x18100] =	vst v63  }
0x44: {  	_ =	swait.ge @!p0 [sflag:s16], $0x4000  }
0x45: {  	s3 =	sadd.s32 $0x1, s3;
	[sflag:s16] =	ssyncset.done @!p0 $0x0  }
0x46: {  	[sflag:s16] =	ssyncadd.s32 @!p0 $0xFFFFC000;
	p0 =	sne.s32 s3, s8  }
.Ltmp1:
0x47: {  	[bflag:$0x0] =	sbarrier.arrive $0xFFFF;
	(pc) =	sbr.rel @p0 .LBB2_1-.Ltmp1, $4  }
0x48: {  	[hbm:s7], [sflag:s6] =	dma.local [spmem:s12], $0x2800  }
0x49: {  	_ =	swait.ge [sflag:s13], $0x2800  }
0x4a: {  	[sflag:s13] =	ssyncset.done $0x0  }
0x4b: {  	[sflag:s13] =	ssyncadd.s32 $0xFFFFD800  }
0x4c: {  	_ =	sfence.sel $0x180000  }
0x4d: {  	[bflag:$0x0] =	sbarrier.arrive $0xFFFF  }
0x4e: {  	p0 =	sne.s32 s1, $0x0;
	_ =	strace $0x9000004D  }
0x4f: {  	s0 =	sadd.s32 @!p0 $0x100000, s0;
	[bflag:$0x2] =	sbarrier.arrive $0xFFFF  }
0x50: {  	[sflag:s0] =	ssyncadd.tile.s32 @!p0 $0x1;
	_ =	shalt  }
.Lfunc_end2:
_tile_overlayer_lowered:
.L_overlay_start_2:
0x51: {  	(tag) =	ssettag $0x2  }
0x52: {  	s0 =	rddreg [dreg:$0x0];
	s2 =	stileid.u32  }
0x53: {  	s1 =	rddreg [dreg:$0x1];
	p0 =	sne.s32 s2, $0x0  }
0x54: {  	s3 =	rddreg [dreg:$0x2];
	[bflag:$0x3] =	sbarrier.arrive $0xFFFF;
	s2 =	simm.s32 @!p0 $0x1C02  }
0x55: {  	[timem:s3], [sflag:s2] =	dma.local @!p0 [hbm:s0], s1  }
0x56: {  	s0 =	simm.s32 @!p0 $0x2  }
0x57: {  	_ =	swait.ge @!p0 [sflag:s0], s1  }
0x58: {  	s1 =	ssub.s32 @!p0 $0x0, s1;
	[sflag:s0] =	ssyncset.done @!p0 $0x0  }
0x59: {  	[sflag:s0] =	ssyncadd.s32 @!p0 s1  }
0x5a: {  	[bflag:$0x3] =	sbarrier.arrive $0xFFFF  }
0x5b: {  	_ =	shalt  }

// kernel: kernel.8.cloned.1.call-start
scs
__scs_entry_jumppad:
0x0: {  	(pc) =	sbr.rel $0x88, $3  }
0x1: {  	(tag) =	ssettag $0x0;
	lr =	simm.s32 $0x1  }
0x2: {  	[smem:$0x3F96] =	sst lr;
	_ =	strace $0xD0000000  }
0x3: {  	_ = 	snop  }
0x4: {  	_ = 	snop  }
0x5: {  	_ = 	snop  }
0x6: {  	_ = 	snop  }
0x7: {  	_ = 	snop  }
__scs_overlays_trampoline_lowered:
0x8: {  	[smem:$0x3FA5] =	sst s0  }
0x9: {  	[smem:$0x3FA6] =	sst s1  }
0xa: {  	[smem:$0x3FA7] =	sst s2  }
0xb: {  	[smem:$0x3FA8] =	sst s3  }
0xc: {  	[smem:$0x3FA9] =	sst s4  }
0xd: {  	[smem:$0x3FAA] =	sst s5  }
0xe: {  	[smem:$0x3FAB] =	sst s6  }
0xf: {  	[smem:$0x3FAC] =	sst s7  }
0x10: {  	[smem:$0x3FAD] =	sst s8  }
0x11: {  	[smem:$0x3FAE] =	sst s9;
	s0 =	simm.s32 @!p0 $0x0  }
0x12: {  	s1 =	sld [smem:$0x3F94];
	s0 =	simm.s32 @p0 $0x1  }
0x13: {  	[smem:$0x3FAF] =	sst s0;
	s0 =	simm.s32 @!p1 $0x0  }
0x14: {  	s2 =	sld [smem:$0x3F93];
	s0 =	simm.s32 @p1 $0x1  }
0x15: {  	[smem:$0x3FB0] =	sst s0;
	s0 =	simm.s32 @!p2 $0x0  }
0x16: {  	s3 =	sld [smem:$0x3FDB];
	s0 =	simm.s32 @p2 $0x1  }
0x17: {  	s4 =	simm.s32 $0x1BF5;
	[smem:$0x3FB2] =	sst s0  }
0x18: {  	s0 =	sld [smem:$0x3F95];
	_ =	swait.ge [sflag:s4], $0x0  }
0x19: {  	s7 =	sld [smem:$0x3F96]  }
0x1a: {  	s8 =	sadd.s32 $0xFFFFE003, lr  }
0x1b: {  	s9 =	sadd.s32 $0xFFFFFEF7, lr;
	s5 =	simm.s32 $0xFFFFFFFF;
	p2 =	slt.u32 s8, $0xFFFFF086  }
0x1c: {  	p1 =	slt.u32 s9, $0xF7A;
	s5 =	simm.s32 @!p2 $0x0  }
0x1d: {  	s5 =	simm.s32 @p1 $0x1;
	p0 =	seq.s32 s7, s2  }
0x1e: {  	s7 =	smul.u32 @!p0 $0xF7A, s2;
	p2 =	seq.s32 @!p0 s5, $0x0  }
0x1f: {  	s9 =	smul.u32 $0xF7A, s1;
	s8 =	simm.s32 @!p0 $0x1BF5;
	p2 =	por !p2, p0  }
0x20: {  	[sflag:s8] =	ssyncset.s32 @!p0 $0xFFFFF086;
	s6 =	sadd.s32 @!p0 s3, s7;
	s7 =	simm.s32 @!p0 $0x108  }
0x21: {  	s3 =	sadd.s32 s3, s9;
	s6 =	sadd.s32 @!p0 $0x88, s6;
	s7 =	simm.s32 @p2 $0x1082  }
0x22: {  	[simem:s7], [sflag:s8] =	dma.local @!p0 [hbm:s6], $0xF7A  }
0x23: {  	s9 =	sor.u32 $0xD0000000, s2;
	s6 =	simm.s32 $0x108;
	_ =	swait.ge @!p0 [sflag:s8], $0x0  }
0x24: {  	s3 =	sadd.s32 $0x88, s3;
	s6 =	simm.s32 @!p1 $0x1082;
	[sflag:s4] =	ssyncset.s32 $0xFFFFF086  }
0x25: {  	[simem:s6], [sflag:s4] =	dma.local [hbm:s3], $0xF7A  }
0x26: {  	[smem:$0x3F96] =	sst s1;
	(tag) =	ssettag s2;
	_ =	strace s9  }
0x27: {  	s1 =	sld [smem:$0x3FA6]  }
0x28: {  	s2 =	sld [smem:$0x3FA7]  }
0x29: {  	s4 =	sld [smem:$0x3FA9]  }
0x2a: {  	p0 =	seq.s32 s5, $0x0;
	s5 =	sld [smem:$0x3FAA]  }
0x2b: {  	s6 =	sld [smem:$0x3FAB]  }
0x2c: {  	s7 =	sld [smem:$0x3FAC]  }
0x2d: {  	s3 =	simm.s32 $0x108;
	s8 =	sld [smem:$0x3FAD]  }
0x2e: {  	s3 =	simm.s32 @!p0 $0x1082;
	s9 =	sld [smem:$0x3FAE]  }
0x2f: {  	lr =	sadd.s32 s0, s3;
	s0 =	sld [smem:$0x3FA5]  }
0x30: {  	s3 =	sld [smem:$0x3FA8]  }
0x31: {  	[smem:$0x3FB1] =	sst s10  }
0x32: {  	s10 =	sld [smem:$0x3FAF];
	_ =	sdelay $0x3  }
0x33: {  	p0 =	seq.s32 s10, $0x1;
	s10 =	sld [smem:$0x3FB1];
	_ =	sdelay $0x3  }
0x34: {  	[smem:$0x3FB1] =	sst s10  }
0x35: {  	s10 =	sld [smem:$0x3FB0];
	_ =	sdelay $0x3  }
0x36: {  	p1 =	seq.s32 s10, $0x1;
	s10 =	sld [smem:$0x3FB1];
	_ =	sdelay $0x3  }
0x37: {  	[smem:$0x3FB1] =	sst s10  }
0x38: {  	s10 =	sld [smem:$0x3FB2]  }
0x39: {  	_ = 	snop;
	(pc) =	sbr.ind lr, $3  }
0x3a: {  	_ = 	snop  }
0x3b: {  	_ = 	snop  }
0x3c: {  	p2 =	seq.s32 s10, $0x1;
	s10 =	sld [smem:$0x3FB1]  }
0x3d: {  	_ =	shalt  }
0x3e: {  	_ =	shalt  }
0x3f: {  	_ =	shalt  }
0x40: {  	_ =	shalt  }
0x41: {  	_ =	shalt  }
0x42: {  	_ =	shalt  }
0x43: {  	_ =	shalt  }
0x44: {  	_ =	shalt  }
0x45: {  	_ =	shalt  }
0x46: {  	_ =	shalt  }
0x47: {  	_ =	shalt  }
0x48: {  	_ =	shalt  }
0x49: {  	_ =	shalt  }
0x4a: {  	_ =	shalt  }
0x4b: {  	_ =	shalt  }
0x4c: {  	_ =	shalt  }
0x4d: {  	_ =	shalt  }
0x4e: {  	_ =	shalt  }
0x4f: {  	_ =	shalt  }
0x50: {  	_ =	shalt  }
0x51: {  	_ =	shalt  }
0x52: {  	_ =	shalt  }
0x53: {  	_ =	shalt  }
0x54: {  	_ =	shalt  }
0x55: {  	_ =	shalt  }
0x56: {  	_ =	shalt  }
0x57: {  	_ =	shalt  }
0x58: {  	_ =	shalt  }
0x59: {  	_ =	shalt  }
0x5a: {  	_ =	shalt  }
0x5b: {  	_ =	shalt  }
0x5c: {  	_ =	shalt  }
0x5d: {  	_ =	shalt  }
0x5e: {  	_ =	shalt  }
0x5f: {  	_ =	shalt  }
0x60: {  	_ =	shalt  }
0x61: {  	_ =	shalt  }
0x62: {  	_ =	shalt  }
0x63: {  	_ =	shalt  }
0x64: {  	_ =	shalt  }
0x65: {  	_ =	shalt  }
0x66: {  	_ =	shalt  }
0x67: {  	_ =	shalt  }
0x68: {  	_ =	shalt  }
0x69: {  	_ =	shalt  }
0x6a: {  	_ =	shalt  }
0x6b: {  	_ =	shalt  }
0x6c: {  	_ =	shalt  }
0x6d: {  	_ =	shalt  }
0x6e: {  	_ =	shalt  }
0x6f: {  	_ =	shalt  }
0x70: {  	_ =	shalt  }
0x71: {  	_ =	shalt  }
0x72: {  	_ =	shalt  }
0x73: {  	_ =	shalt  }
0x74: {  	_ =	shalt  }
0x75: {  	_ =	shalt  }
0x76: {  	_ =	shalt  }
0x77: {  	_ =	shalt  }
0x78: {  	_ =	shalt  }
0x79: {  	_ =	shalt  }
0x7a: {  	_ =	shalt  }
0x7b: {  	_ =	shalt  }
0x7c: {  	_ =	shalt  }
0x7d: {  	_ =	shalt  }
0x7e: {  	_ =	shalt  }
0x7f: {  	_ =	shalt  }
0x80: {  	_ =	shalt  }
0x81: {  	_ =	shalt  }
0x82: {  	_ =	shalt  }
0x83: {  	_ =	shalt  }
0x84: {  	_ =	shalt  }
0x85: {  	_ =	shalt  }
0x86: {  	_ =	shalt  }
0x87: {  	_ =	shalt  }
.Lfunc_end0:
.L_simem_size_0:
called_computation_lowered:
.L_overlay_start_0:
0x88: {  	s2 =	sld [smem:$0x3FD9]  }
0x89: {  	s3 =	sld [smem:$0x3FFE];
	_ =	sdelay $0x1  }
0x8a: {  	s1 =	srdreg.scid  }
0x8b: {  	s0 =	sand.u32 $0x1, s1  }
0x8c: {  	s16 =	sshll.u32 s0, $0xA;
	s2 =	sadd.s32 s3, s2  }
0x8d: {  	s2 =	sadd.s32 s2, s16  }
0x8e: {  	[smem:$0x3FBD] =	sst s2  }
0x8f: {  	_ = 	snop  }
0x90: {  	(tm) =	ssettm $0x1  }
0x91: {  	s17 =	sld [smem:$0x3FFB];
	_ =	sdelay $0x3  }
0x92: {  	_ =	strace s17  }
0x93: {  	s2 =	sld [smem:$0x3FFC];
	_ =	sdelay $0x3  }
0x94: {  	_ =	strace s2  }
0x95: {  	s2 =	sld [smem:$0x3FFD];
	_ =	sdelay $0x3  }
0x96: {  	_ =	strace s2  }
0x97: {  	_ =	strace $0x8FFFFFFF  }
0x98: {  	s18 =	sld [smem:$0x3FDB];
	_ =	sdelay $0x1  }
0x99: {  	s19 =	simm.s32 $_scs_section_size  }
0x9a: {  	s4 =	simm.s32 $_size__tile_overlayer_lowered;
	s5 =	simm.s32 $_tile_overlayer_lowered  }
0x9b: {  	s22 =	simm.s32 $0x1BFF;
	s21 =	sshll.u32 s5, $0x1;
	s2 =	sadd.s32 s19, s18  }
0x9c: {  	s6 =	simm.s32 $0x0;
	s20 =	sshll.u32 s4, $0x1;
	s4 =	sadd.s32 s21, s2  }
0x9d: {  	[timem:s6], [sflag:s22] =	dma.local [hbm:s4], s20  }
0x9e: {  	_ =	swait.ge [sflag:s22], s20  }
0x9f: {  	s3 =	ssub.s32 $0x0, s20;
	[sflag:s22] =	ssyncset.done $0x0  }
0xa0: {  	[sflag:s22] =	ssyncadd.s32 s3;
	_ =	sdelay $0x1  }
0xa1: {  	s23 =	simm.s32 $0x1B8B  }
0xa2: {  	_ =	swait.ge [sflag:s23], $0x1  }
0xa3: {  	[sflag:s23] =	ssyncset.done $0x0  }
0xa4: {  	s25 =	simm.s32 $0x1B8E;
	s24 =	sld [smem:$0x3FFE];
	[sflag:s23] =	ssyncadd.s32 $0xFFFFFFFF  }
0xa5: {  	s26 =	simm.s32 $execute0_lowered;
	[smem:$0x3FD2] =	sst s25  }
0xa6: {  	s4 =	sshll.u32 s26, $0x1;
	_ =	strace $0x80000046;
	[dreg:$0x1] =	wrdreg $0xFFFFFFFF  }
0xa7: {  	s28 =	simm.s32 $_size_execute0_lowered;
	s2 =	sadd.s32 s2, s4;
	[dreg:$0x0] =	wrdreg $0x0  }
0xa8: {  	s4 =	sshll.u32 s28, $0x1;
	[dreg:$0x2] =	wrdreg s2  }
0xa9: {  	[dreg:$0x3] =	wrdreg s4  }
0xaa: {  	[dreg:$0x4] =	wrdreg $0xC0  }
0xab: {  	_ =	task [dreg:s6], $0x5FFFF  }
0xac: {  	[dreg:$0x1] =	wrdreg $0xFFFFFFFF  }
0xad: {  	[dreg:$0x0] =	wrdreg $0x60  }
0xae: {  	[dreg:$0x2] =	wrdreg s24  }
0xaf: {  	[dreg:$0x3] =	wrdreg $0x40800  }
0xb0: {  	[dreg:$0x4] =	wrdreg $0x9  }
0xb1: {  	_ =	task.clear_ibuf [dreg:s6], $0x5FFFF;
	_ =	strace $0x90000046  }
0xb2: {  	s29 =	simm.s32 $0x9;
	_ =	strace $0x80000048  }
0xb3: {  	_ =	swait.ge [sflag:s29], $0x1  }
0xb4: {  	[sflag:s29] =	ssyncadd.s32 $0xFFFFFFFF  }
0xb5: {  	_ =	strace $0x90000048  }
0xb6: {  	_ =	sfence  }
0xb7: {  	s30 =	sld [smem:$0x0];
	_ =	sdelay $0x2  }
0xb8: {  	s31 =	sshll.u32 s1, $0xD;
	s1 =	sshrl.u32 s1, $0x2  }
0xb9: {  	s3 =	sand.u32 $0x4000, s31;
	s1 =	sadd.s32 s1, s30  }
0xba: {  	s0 =	sor.u32 s3, s0;
	s1 =	sshll.u32 s1, $0x11  }
0xbb: {  	s0 =	sor.u32 s1, s0  }
0xbc: {  	s0 =	sadd.s32 $0x8F2B, s0  }
0xbd: {  	[sflag:s0] =	ssyncadd.remote.s32 $0x1  }
0xbe: {  	_ =	sfence.sel $0xFFFF  }
0xbf: {  	[dreg:$0x0] =	wrdreg $0xFFFFFFFF;
	(pc) =	sbr.abs _section_cstart, $3  }
0xc0: {  	[dreg:$0x1] =	wrdreg $0xFFFFFFFF  }
0xc1: {  	_ =	task.clear_ibuf [dreg:s6], $0x2FFFF;
	_ =	strace $0x9FFFFFFF  }
0xc2: {  	(tm) =	ssettm $0x7FFFFFFF  }
0xc3: {  	_ =	shalt  }
tec
execute0_lowered:
.L_overlay_start_1:
0x0: {  	(tag) =	ssettag $0x1  }
0x1: {  	s5 =	rddreg [dreg:$0x0]  }
0x2: {  	s2 =	rddreg [dreg:$0x1]  }
0x3: {  	s0 =	rddreg [dreg:$0x2]  }
0x4: {  	s4 =	srdreg.scid;
	s1 =	stileid.u32  }
0x5: {  	s3 =	simm.s32 $0x0;
	s13 =	simm.s32 $0x0;
	s7 =	smul.u32 $0x14000, s1  }
0x6: {  	s6 =	sand.u32 $0x1, s4;
	[smem:$0x7FF] =	sst s3;
	s12 =	smul.u32 $0x50000, s1  }
0x7: {  	s30 =	sshll.u32 s1, $0x4;
	s31 =	sshll.u32 s1, $0x6;
	s4 =	sshll.u32 s6, $0x8  }
0x8: {  	s8 =	smul.u32 $0x140000, s6;
	_ =	strace $0x80000047;
	s26 =	ssub.s32 $0x2, s6  }
0x9: {  	s28 =	sshll.u32 s6, $0x4;
	s9 =	sadd.s32 s4, s5;
	s4 =	sadd.s32 $0x3E400, s5  }
0xa: {  	s10 =	sshrl.u32 s7, $0x3;
	s11 =	sshrl.u32 s26, $0x1;
	s29 =	sshrl.u32 s12, $0x2  }
0xb: {  	s7 =	sadd.s32 s7, s8;
	s10 =	sadd.s32 s10, s5;
	s8 =	ssub.s32 s26, s11  }
0xc: {  	s12 =	sadd.s32 s29, s2;
	s9 =	sadd.s32 s30, s9;
	s7 =	sshrl.u32 s7, $0x3  }
0xd: {  	s11 =	sor.u32 $0x1C01, s31;
	s12 =	sshrl.u32 s12, $0x3;
	s7 =	sadd.s32 s7, s5  }
0xe: {  	s5 =	sadd.s32 $0x16400, s10;
	s10 =	simm.s32 $0x1;
	s6 =	sadd.s32 $0x3EC00, s7  }
0xf: {  	s7 =	smax.u32 s8, $0x1;
	s8 =	sadd.s32 $0xC600, s9;
	s9 =	sor.u32 s28, s1  }
.LBB2_1:
0x10: {  	[tilespmem:s3], [sflag:$0x1] =	stream.linear.gather [hbm4b:s4+s3], $0x4000, $0x38;
	[tilespmem:$0x18080] =	vst v63  }
0x11: {  	_ =	swait.ge [sflag:s10], $0x4000  }
0x12: {  	[sflag:s10] =	ssyncset.done $0x0  }
0x13: {  	[sflag:s10] =	ssyncadd.s32 $0xFFFFC000  }
0x14: {  	[spmem:s12], [sflag:s11] =	dma.local [hbm:s5], $0x2800  }
0x15: {  	s14 =	sadd.s32 $0x0, s9;
	_ =	swait.ge [sflag:s10], $0x2800  }
0x16: {  	p1 =	sgt.u32 s14, $0x9C3;
	[sflag:s10] =	ssyncset.done $0x0  }
0x17: {  	s14 =	simm.s32 @!p1 $0x0;
	[sflag:s10] =	ssyncadd.s32 $0xFFFFD800  }
0x18: {  	s15 =	simm.s32 @!p1 $0x4000;
	s16 =	simm.s32 @!p1 $0x2;
	[bflag:$0x0] =	sbarrier.arrive $0xFFFF  }
0x19: {  	[tilespmem:s15], [sflag:$0x2] =	stream.linear.gather @!p1 [hbm4b:s8+s14], $0x80, $0x38;
	[tilespmem:$0x18080] =	vst v63  }
0x1a: {  	_ =	swait.ge @!p1 [sflag:s16], $0x80  }
0x1b: {  	p0 =	por p1, p1;
	[sflag:s16] =	ssyncset.done @!p1 $0x0  }
0x1c: {  	[sflag:s16] =	ssyncadd.s32 @!p0 $0xFFFFFF80;
	s16 =	simm.s32 @!p0 $0x80  }
0x1d: {  	[spmem:s2] =	stream.indirect.scatter.add.f32 @!p0 [tilespmem:s14], [sflag:$0x1], $0x80, s15, s16, $0xb8;
	[tilespmem:$0x18080] =	vst v63  }
0x1e: {  	s31 =	sadd.s32 $0x20, s9;
	s15 =	simm.s32 $0x40;
	s16 =	simm.s32 @!p1 $0x1  }
0x1f: {  	p1 =	sgt.u32 s31, $0x9C3;
	s14 =	sadd.s32 $0x200, s8;
	_ =	swait.ge @!p0 [sflag:s16], $0x4000  }
.LBB2_2:
0x20: {  	s17 =	simm.s32 @!p1 $0x0;
	s18 =	simm.s32 @!p1 $0x4000  }
0x21: {  	[sflag:s16] =	ssyncset.done @!p0 $0x0;
	s19 =	smov.u32 s15;
	s15 =	sadd.s32 $0x20, s15  }
0x22: {  	s20 =	simm.s32 @!p1 $0x2;
	[sflag:s16] =	ssyncadd.s32 @!p0 $0xFFFFC000;
	p2 =	sne.s32 s15, $0x9E0  }
0x23: {  	[tilespmem:s18], [sflag:$0x2] =	stream.linear.gather @!p1 [hbm4b:s14+s17], $0x80, $0x38;
	[tilespmem:$0x18080] =	vst v63  }
.Ltmp0:
0x24: {  	_ =	swait.ge @!p1 [sflag:s20], $0x80;
	(pc) =	sbr.rel @p2 .LBB2_2-.Ltmp0, $4  }
0x25: {  	s16 =	simm.s32 @!p1 $0x1;
	p0 =	por p1, p1;
	[sflag:s20] =	ssyncset.done @!p1 $0x0  }
0x26: {  	s19 =	sadd.s32 s19, s9;
	[sflag:s20] =	ssyncadd.s32 @!p0 $0xFFFFFF80;
	s20 =	simm.s32 @!p0 $0x80  }
0x27: {  	[spmem:s2] =	stream.indirect.scatter.add.f32 @!p0 [tilespmem:s17], [sflag:$0x1], $0x80, s18, s20, $0xb8;
	[tilespmem:$0x18080] =	vst v63  }
0x28: {  	s14 =	sadd.s32 $0x200, s14;
	p1 =	sgt.u32 s19, $0x9C3;
	_ =	swait.ge @!p0 [sflag:s16], $0x4000  }
0x29: {  	s15 =	simm.s32 @!p1 $0x0;
	[sflag:s16] =	ssyncset.done @!p0 $0x0  }
0x2a: {  	s17 =	simm.s32 @!p1 $0x4000;
	s18 =	simm.s32 @!p1 $0x2;
	[sflag:s16] =	ssyncadd.s32 @!p0 $0xFFFFC000  }
0x2b: {  	[tilespmem:s17], [sflag:$0x2] =	stream.linear.gather @!p1 [hbm4b:s14+s15], $0x80, $0x38;
	[tilespmem:$0x18080] =	vst v63  }
0x2c: {  	_ =	swait.ge @!p1 [sflag:s18], $0x80  }
0x2d: {  	p0 =	por p1, p1;
	[sflag:s18] =	ssyncset.done @!p1 $0x0  }
0x2e: {  	s14 =	simm.s32 @!p1 $0x1;
	s16 =	simm.s32 @!p0 $0x80;
	[sflag:s18] =	ssyncadd.s32 @!p0 $0xFFFFFF80  }
0x2f: {  	[spmem:s2] =	stream.indirect.scatter.add.f32 @!p0 [tilespmem:s15], [sflag:$0x1], $0x80, s17, s16, $0xb8;
	[tilespmem:$0x18080] =	vst v63  }
0x30: {  	_ =	swait.ge @!p0 [sflag:s14], $0x4000  }
0x31: {  	s13 =	sadd.s32 $0x1, s13;
	[sflag:s14] =	ssyncset.done @!p0 $0x0  }
0x32: {  	[sflag:s14] =	ssyncadd.s32 @!p0 $0xFFFFC000;
	p0 =	sne.s32 s13, s7  }
.Ltmp1:
0x33: {  	[bflag:$0x0] =	sbarrier.arrive $0xFFFF;
	(pc) =	sbr.rel @p0 .LBB2_1-.Ltmp1, $4  }
0x34: {  	[hbm:s6], [sflag:s11] =	dma.local [spmem:s12], $0x2800  }
0x35: {  	_ =	swait.ge [sflag:s10], $0x2800  }
0x36: {  	[sflag:s10] =	ssyncset.done $0x0  }
0x37: {  	[sflag:s10] =	ssyncadd.s32 $0xFFFFD800  }
0x38: {  	_ =	sfence.sel $0x180000  }
0x39: {  	[bflag:$0x0] =	sbarrier.arrive $0xFFFF  }
0x3a: {  	p0 =	sne.s32 s1, $0x0;
	_ =	strace $0x90000047  }
0x3b: {  	s0 =	sadd.s32 @!p0 $0x100000, s0;
	[bflag:$0x2] =	sbarrier.arrive $0xFFFF  }
0x3c: {  	[sflag:s0] =	ssyncadd.tile.s32 @!p0 $0x1;
	_ =	shalt  }
.Lfunc_end2:
_tile_overlayer_lowered:
.L_overlay_start_2:
0x3d: {  	(tag) =	ssettag $0x2  }
0x3e: {  	s0 =	rddreg [dreg:$0x0];
	s2 =	stileid.u32  }
0x3f: {  	s1 =	rddreg [dreg:$0x1];
	p0 =	sne.s32 s2, $0x0  }
0x40: {  	s3 =	rddreg [dreg:$0x2];
	[bflag:$0x3] =	sbarrier.arrive $0xFFFF;
	s2 =	simm.s32 @!p0 $0x1C01  }
0x41: {  	[timem:s3], [sflag:s2] =	dma.local @!p0 [hbm:s0], s1  }
0x42: {  	s0 =	simm.s32 @!p0 $0x1  }
0x43: {  	_ =	swait.ge @!p0 [sflag:s0], s1  }
0x44: {  	s1 =	ssub.s32 @!p0 $0x0, s1;
	[sflag:s0] =	ssyncset.done @!p0 $0x0  }
0x45: {  	[sflag:s0] =	ssyncadd.s32 @!p0 s1  }
0x46: {  	[bflag:$0x3] =	sbarrier.arrive $0xFFFF  }
0x47: {  	_ =	shalt  }

</sc_bundles>
